<compile_context>
chip_gen: v7x
topology: tpu7x:2x2x1
jax: 0.10.2.dev20260603
libtpu: 0.0.44.dev20260713+nightly
codegen_flags: <defaults>
</compile_context>

<pallas_src>
import functools

import jax
import jax.numpy as jnp
from jax import lax
from jax.experimental import pallas as pl
from jax.experimental.pallas import tpu as pltpu
from jax.experimental.pallas import tpu_sc as plsc

_D = 128
_CH = 128
_BLK = 4096
_INV_LN2 = 1.4426950408889634


def _gather3(user2d, pos2d, neg2d, user_table, item_table, batch):
    info = plsc.get_sparse_core_info()
    nw = info.num_cores * info.num_subcores
    rows_per_w = batch // nw
    cpg = rows_per_w // _CH
    ntask = 3 * cpg
    mesh = plsc.VectorSubcoreMesh(core_axis_name="c", subcore_axis_name="s")

    @functools.partial(
        pl.kernel,
        mesh=mesh,
        out_type=jax.ShapeDtypeStruct((3, batch, _D), jnp.float32),
        scratch_types=[
            pltpu.VMEM((ntask, _CH), jnp.int32),
            pltpu.VMEM((7, _CH, _D), jnp.float32),
        ] + [pltpu.SemaphoreType.DMA] * 15,
    )
    def k(user_h, pos_h, neg_h, ut_h, it_h, out_h,
          idx_v, rows_v, *sems):
        wid = lax.axis_index("s") * info.num_cores + lax.axis_index("c")
        rbase = wid * rows_per_w
        irow0 = wid * cpg
        gsem = sems[0:7]
        ssem = sems[7:14]
        isem = sems[14]
        ic = [pltpu.async_copy(src.at[pl.ds(irow0, cpg)],
                               idx_v.at[pl.ds(off * cpg, cpg)], isem)
              for off, src in enumerate((user_h, pos_h, neg_h))]

        tasks = []
        for j, tbl in enumerate((ut_h, it_h, it_h)):
            for c in range(cpg):
                tasks.append((j, j * cpg + c, tbl, rbase + c * _CH))

        scat = [None] * 7
        q = []

        def drain_one():
            pg, pb, pj, pobase = q.pop(0)
            pg.wait()
            scat[pb] = pltpu.async_copy(
                rows_v.at[pb], out_h.at[pj, pl.ds(pobase, _CH)], ssem[pb])

        for t, (tj, ti, tbl, obase) in enumerate(tasks):
            if ic[tj] is not None:
                ic[tj].wait()
                ic[tj] = None
            b = t % 7
            if scat[b] is not None:
                scat[b].wait()
                scat[b] = None
            q.append((pltpu.async_copy(tbl.at[idx_v.at[ti]], rows_v.at[b],
                                       gsem[b]), b, tj, obase))
            if len(q) >= 5:
                drain_one()
        while q:
            drain_one()
        for sc in scat:
            if sc is not None:
                sc.wait()

    return k(user2d, pos2d, neg2d, user_table, item_table)


_RT = (((1,), (1,)), ((), ()))


def _mlp_body(x_ref, w0u_ref, w0i_ref, b0_ref,
              w1_ref, b1_ref, w2_ref, b2_ref, wp_ref, bp_ref,
              pp_ref, pn_ref, loss_ref):
    eu = x_ref[0]
    ep = x_ref[1]
    en = x_ref[2]
    aT = lax.dot_general(w0u_ref[...], eu, _RT,
                         preferred_element_type=jnp.float32)
    b0 = b0_ref[...]
    h0p = jnp.maximum(
        aT + lax.dot_general(w0i_ref[...], ep, _RT,
                             preferred_element_type=jnp.float32) + b0, 0.0)
    h0n = jnp.maximum(
        aT + lax.dot_general(w0i_ref[...], en, _RT,
                             preferred_element_type=jnp.float32) + b0, 0.0)
    w1 = w1_ref[...]
    b1 = b1_ref[...]
    h1p = jnp.maximum(
        jnp.dot(w1, h0p, preferred_element_type=jnp.float32) + b1, 0.0)
    h1n = jnp.maximum(
        jnp.dot(w1, h0n, preferred_element_type=jnp.float32) + b1, 0.0)
    w2 = w2_ref[...]
    b2 = b2_ref[...]
    h2p = jnp.maximum(
        jnp.dot(w2, h1p, preferred_element_type=jnp.float32) + b2, 0.0)
    h2n = jnp.maximum(
        jnp.dot(w2, h1n, preferred_element_type=jnp.float32) + b2, 0.0)
    wp = wp_ref[...]
    bp = bp_ref[0, 0]
    pp = jnp.sum(h2p * wp, axis=0, keepdims=True) + bp
    pn = jnp.sum(h2n * wp, axis=0, keepdims=True) + bp
    pp_ref[...] = pp[None]
    pn_ref[...] = pn[None]
    d = pp - pn
    l2 = -(jnp.maximum(-d, 0.0)
           + jnp.log(1.0 + jnp.exp(-jnp.abs(d)))) * _INV_LN2
    blk_loss = jnp.full((1, _D), -jnp.sum(l2), jnp.float32)

    @pl.when(pl.program_id(0) == 0)
    def _init():
        loss_ref[...] = jnp.zeros((1, _D), jnp.float32)

    loss_ref[...] += blk_loss


def _mlp(emb, w0u, w0i, b0r, w1p, b1p, w2p, b2p, wpp, bp11, batch):
    n_blk = batch // _BLK
    row_spec = pl.BlockSpec((3, _BLK, _D), lambda i: (0, i, 0))
    w_spec = pl.BlockSpec((_D, _D), lambda i: (0, 0))
    c_spec = pl.BlockSpec((_D, 1), lambda i: (0, 0))
    return pl.pallas_call(
        _mlp_body,
        grid=(n_blk,),
        in_specs=[row_spec,
                  w_spec, w_spec, c_spec,
                  w_spec, c_spec,
                  w_spec, c_spec,
                  c_spec,
                  pl.BlockSpec(memory_space=pltpu.SMEM)],
        out_specs=[pl.BlockSpec((1, 1, _BLK), lambda i: (i, 0, 0)),
                   pl.BlockSpec((1, 1, _BLK), lambda i: (i, 0, 0)),
                   pl.BlockSpec((1, _D), lambda i: (0, 0))],
        out_shape=[jax.ShapeDtypeStruct((n_blk, 1, _BLK), jnp.float32),
                   jax.ShapeDtypeStruct((n_blk, 1, _BLK), jnp.float32),
                   jax.ShapeDtypeStruct((1, _D), jnp.float32)],
    )(emb, w0u, w0i, b0r, w1p, b1p, w2p, b2p, wpp, bp11)


def kernel(user, pos_item, neg_item, user_table, item_table,
           W0, b0, W1, b1, W2, b2, Wp, bp):
    batch = user.shape[0]
    user2d = user.astype(jnp.int32).reshape(batch // _CH, _CH)
    pos2d = pos_item.astype(jnp.int32).reshape(batch // _CH, _CH)
    neg2d = neg_item.astype(jnp.int32).reshape(batch // _CH, _CH)

    w0u = W0[:_D].T
    w0i = W0[_D:].T
    b0r = b0.reshape(_D, 1)
    w1p = jnp.zeros((_D, _D), jnp.float32).at[:64, :].set(W1.T)
    b1p = jnp.zeros((_D, 1), jnp.float32).at[:64, 0].set(b1)
    w2p = jnp.zeros((_D, _D), jnp.float32).at[:32, :64].set(W2.T)
    b2p = jnp.zeros((_D, 1), jnp.float32).at[:32, 0].set(b2)
    wpp = jnp.zeros((_D, 1), jnp.float32).at[:32, 0].set(Wp[:, 0])
    bp11 = bp.reshape(1, 1)

    emb = _gather3(user2d, pos2d, neg2d, user_table, item_table, batch)
    pp, pn, loss = _mlp(emb, w0u, w0i, b0r, w1p, b1p, w2p, b2p,
                        wpp, bp11, batch)
    return pp.reshape(batch), pn.reshape(batch), loss[0, 0].reshape(())

# --- scband reference (transcript-rebuilt; emitter-appended) ---
"""Pipeline reference for scband-ncf-45234595562076 (READ-ONLY COPY).

The authoritative reference and input builder live on the scoring server;
editing this copy changes nothing except your own understanding.
"""

import jax, jax.numpy as jnp
import numpy as np

B = 16384
DIM = 128
USERS = 1000000
ITEMS = 1000000
IN_DIM = DIM * 2  # 256


def _xavier(key, fan_in, fan_out):
    lim = np.sqrt(6.0 / (fan_in + fan_out))
    return jax.random.uniform(key, (fan_in, fan_out), jnp.float32, -lim, lim)


def setup_inputs(seed: int = 0) -> dict:
    key = jax.random.key(seed)
    ks = jax.random.split(key, 12)
    user = jax.random.randint(ks[0], (B,), 0, USERS, dtype=jnp.int64 if jax.config.jax_enable_x64 else jnp.int32)
    pos_item = jax.random.randint(ks[1], (B,), 0, ITEMS, dtype=user.dtype)
    neg_item = jax.random.randint(ks[2], (B,), 0, ITEMS, dtype=user.dtype)
    user_table = jax.random.normal(ks[3], (USERS, DIM), jnp.float32) * 0.01
    item_table = jax.random.normal(ks[4], (ITEMS, DIM), jnp.float32) * 0.01
    # MLP: 256->128, 128->64, 64->32 ; predict: 32->1
    W0 = _xavier(ks[5], 256, 128); b0 = jnp.zeros((128,), jnp.float32)
    W1 = _xavier(ks[6], 128, 64);  b1 = jnp.zeros((64,), jnp.float32)
    W2 = _xavier(ks[7], 64, 32);   b2 = jnp.zeros((32,), jnp.float32)
    Wp = _xavier(ks[8], 32, 1);    bp = jnp.zeros((1,), jnp.float32)
    return {"user": user, "pos_item": pos_item, "neg_item": neg_item,
            "user_table": user_table, "item_table": item_table,
            "W0": W0, "b0": b0, "W1": W1, "b1": b1,
            "W2": W2, "b2": b2, "Wp": Wp, "bp": bp}


def reference(user, pos_item, neg_item, user_table, item_table,
              W0, b0, W1, b1, W2, b2, Wp, bp):
    # embedding lookups (eval mode: dropout is identity)
    eu = jnp.take(user_table, user, axis=0)
    ep = jnp.take(item_table, pos_item, axis=0)
    en = jnp.take(item_table, neg_item, axis=0)

    def mlp(x):
        h = jnp.maximum(x @ W0 + b0, 0.0)
        h = jnp.maximum(h @ W1 + b1, 0.0)
        h = jnp.maximum(h @ W2 + b2, 0.0)
        return (h @ Wp + bp).reshape(-1)

    pred_pos = mlp(jnp.concatenate([eu, ep], axis=-1))
    pred_neg = mlp(jnp.concatenate([eu, en], axis=-1))
    loss_value = -jnp.sum(jnp.log2(jax.nn.sigmoid(pred_pos - pred_neg)))
    return (pred_pos, pred_neg, loss_value)

if __name__ == "__main__":
    import jax
    _d = setup_inputs()
    print(jax.jit(kernel)(*tuple(_d.values())))

</pallas_src>

<mosaic_0001>
#map = affine_map<(d0, d1) -> (0, 0)>
#map1 = affine_map<(d0, d1) -> (0, 0, 0)>
module attributes {stable_mosaic.version = 14 : i64} {
  func.func @k(%arg0: i32, %arg1: i32, %arg2: memref<128x128xi32, #tpu.memory_space<hbm>>, %arg3: memref<128x128xi32, #tpu.memory_space<hbm>>, %arg4: memref<128x128xi32, #tpu.memory_space<hbm>>, %arg5: memref<1000000x128xf32, #tpu.memory_space<hbm>>, %arg6: memref<1000000x128xf32, #tpu.memory_space<hbm>>, %arg7: memref<3x16384x128xf32, #tpu.memory_space<hbm>>, %arg8: memref<12x128xi32, #tpu.memory_space<vmem>>, %arg9: memref<7x128x128xf32, #tpu.memory_space<vmem>>, %arg10: memref<!tpu.dma_semaphore, #tpu.memory_space<semaphore_mem>>, %arg11: memref<!tpu.dma_semaphore, #tpu.memory_space<semaphore_mem>>, %arg12: memref<!tpu.dma_semaphore, #tpu.memory_space<semaphore_mem>>, %arg13: memref<!tpu.dma_semaphore, #tpu.memory_space<semaphore_mem>>, %arg14: memref<!tpu.dma_semaphore, #tpu.memory_space<semaphore_mem>>, %arg15: memref<!tpu.dma_semaphore, #tpu.memory_space<semaphore_mem>>, %arg16: memref<!tpu.dma_semaphore, #tpu.memory_space<semaphore_mem>>, %arg17: memref<!tpu.dma_semaphore, #tpu.memory_space<semaphore_mem>>, %arg18: memref<!tpu.dma_semaphore, #tpu.memory_space<semaphore_mem>>, %arg19: memref<!tpu.dma_semaphore, #tpu.memory_space<semaphore_mem>>, %arg20: memref<!tpu.dma_semaphore, #tpu.memory_space<semaphore_mem>>, %arg21: memref<!tpu.dma_semaphore, #tpu.memory_space<semaphore_mem>>, %arg22: memref<!tpu.dma_semaphore, #tpu.memory_space<semaphore_mem>>, %arg23: memref<!tpu.dma_semaphore, #tpu.memory_space<semaphore_mem>>, %arg24: memref<!tpu.dma_semaphore, #tpu.memory_space<semaphore_mem>>) attributes {dimension_semantics = [#tpu.dimension_semantics<core_parallel>, #tpu.dimension_semantics<subcore_parallel>], iteration_bounds = array<i64: 2, 16>, scalar_prefetch = 0 : i64, scratch_operands = 17 : i64, tpu.core_type = #tpu.core_type<sc_vector_subcore>, window_params = [{transform_indices = #map}, {transform_indices = #map}, {transform_indices = #map}, {transform_indices = #map}, {transform_indices = #map}, {transform_indices = #map1}]} {
    %mul3A = arith.constant 2 : i32
    %mul3A_0 = arith.muli %arg1, %mul3A : i32
    %add3A = arith.addi %mul3A_0, %arg0 : i32
    %mul3A_1 = arith.constant 512 : i32
    %mul3A_2 = arith.muli %add3A, %mul3A_1 : i32
    %mul3A_3 = arith.constant 4 : i32
    %mul3A_4 = arith.muli %add3A, %mul3A_3 : i32
    %dma_start3A = arith.constant 0 : i32
    %dma_start3A_5 = arith.constant 0 : i32
    %dma_start3A_6 = tpu.memref_slice %arg8[%dma_start3A, %dma_start3A_5] : memref<12x128xi32, #tpu.memory_space<vmem>> -> memref<4x128xi32, #tpu.memory_space<vmem>>
    %dma_start3A_7 = arith.constant 0 : i32
    %dma_start3A_8 = tpu.memref_slice %arg2[%mul3A_4, %dma_start3A_7] : memref<128x128xi32, #tpu.memory_space<hbm>> -> memref<4x128xi32, #tpu.memory_space<hbm>>
    %dma_start3A_9 = arith.constant 0 : i32
    %dma_start3A_10 = arith.constant 0 : i32
    %dma_start3A_11 = tpu.memref_slice %arg8[%dma_start3A_9, %dma_start3A_10] : memref<12x128xi32, #tpu.memory_space<vmem>> -> memref<4x128xi32, #tpu.memory_space<vmem>>
    %dma_start3A_12 = arith.constant 0 : i32
    %dma_start3A_13 = tpu.memref_slice %arg2[%mul3A_4, %dma_start3A_12] : memref<128x128xi32, #tpu.memory_space<hbm>> -> memref<4x128xi32, #tpu.memory_space<hbm>>
    tpu.enqueue_dma source(%dma_start3A_13 : memref<4x128xi32, #tpu.memory_space<hbm>>) target(%dma_start3A_11 : memref<4x128xi32, #tpu.memory_space<vmem>>) target_semaphore(%arg24 : memref<!tpu.dma_semaphore, #tpu.memory_space<semaphore_mem>>)
    %dma_start3A_14 = arith.constant 4 : i32
    %dma_start3A_15 = arith.constant 0 : i32
    %dma_start3A_16 = tpu.memref_slice %arg8[%dma_start3A_14, %dma_start3A_15] : memref<12x128xi32, #tpu.memory_space<vmem>> -> memref<4x128xi32, #tpu.memory_space<vmem>>
    %dma_start3A_17 = arith.constant 0 : i32
    %dma_start3A_18 = tpu.memref_slice %arg3[%mul3A_4, %dma_start3A_17] : memref<128x128xi32, #tpu.memory_space<hbm>> -> memref<4x128xi32, #tpu.memory_space<hbm>>
    %dma_start3A_19 = arith.constant 4 : i32
    %dma_start3A_20 = arith.constant 0 : i32
    %dma_start3A_21 = tpu.memref_slice %arg8[%dma_start3A_19, %dma_start3A_20] : memref<12x128xi32, #tpu.memory_space<vmem>> -> memref<4x128xi32, #tpu.memory_space<vmem>>
    %dma_start3A_22 = arith.constant 0 : i32
    %dma_start3A_23 = tpu.memref_slice %arg3[%mul3A_4, %dma_start3A_22] : memref<128x128xi32, #tpu.memory_space<hbm>> -> memref<4x128xi32, #tpu.memory_space<hbm>>
    tpu.enqueue_dma source(%dma_start3A_23 : memref<4x128xi32, #tpu.memory_space<hbm>>) target(%dma_start3A_21 : memref<4x128xi32, #tpu.memory_space<vmem>>) target_semaphore(%arg24 : memref<!tpu.dma_semaphore, #tpu.memory_space<semaphore_mem>>)
    %dma_start3A_24 = arith.constant 8 : i32
    %dma_start3A_25 = arith.constant 0 : i32
    %dma_start3A_26 = tpu.memref_slice %arg8[%dma_start3A_24, %dma_start3A_25] : memref<12x128xi32, #tpu.memory_space<vmem>> -> memref<4x128xi32, #tpu.memory_space<vmem>>
    %dma_start3A_27 = arith.constant 0 : i32
    %dma_start3A_28 = tpu.memref_slice %arg4[%mul3A_4, %dma_start3A_27] : memref<128x128xi32, #tpu.memory_space<hbm>> -> memref<4x128xi32, #tpu.memory_space<hbm>>
    %dma_start3A_29 = arith.constant 8 : i32
    %dma_start3A_30 = arith.constant 0 : i32
    %dma_start3A_31 = tpu.memref_slice %arg8[%dma_start3A_29, %dma_start3A_30] : memref<12x128xi32, #tpu.memory_space<vmem>> -> memref<4x128xi32, #tpu.memory_space<vmem>>
    %dma_start3A_32 = arith.constant 0 : i32
    %dma_start3A_33 = tpu.memref_slice %arg4[%mul3A_4, %dma_start3A_32] : memref<128x128xi32, #tpu.memory_space<hbm>> -> memref<4x128xi32, #tpu.memory_space<hbm>>
    tpu.enqueue_dma source(%dma_start3A_33 : memref<4x128xi32, #tpu.memory_space<hbm>>) target(%dma_start3A_31 : memref<4x128xi32, #tpu.memory_space<vmem>>) target_semaphore(%arg24 : memref<!tpu.dma_semaphore, #tpu.memory_space<semaphore_mem>>)
    %add3A_34 = arith.constant 0 : i32
    %add3A_35 = arith.addi %mul3A_2, %add3A_34 : i32
    %add3A_36 = arith.constant 128 : i32
    %add3A_37 = arith.addi %mul3A_2, %add3A_36 : i32
    %add3A_38 = arith.constant 256 : i32
    %add3A_39 = arith.addi %mul3A_2, %add3A_38 : i32
    %add3A_40 = arith.constant 384 : i32
    %add3A_41 = arith.addi %mul3A_2, %add3A_40 : i32
    %add3A_42 = arith.constant 0 : i32
    %add3A_43 = arith.addi %mul3A_2, %add3A_42 : i32
    %add3A_44 = arith.constant 128 : i32
    %add3A_45 = arith.addi %mul3A_2, %add3A_44 : i32
    %add3A_46 = arith.constant 256 : i32
    %add3A_47 = arith.addi %mul3A_2, %add3A_46 : i32
    %add3A_48 = arith.constant 384 : i32
    %add3A_49 = arith.addi %mul3A_2, %add3A_48 : i32
    %add3A_50 = arith.constant 0 : i32
    %add3A_51 = arith.addi %mul3A_2, %add3A_50 : i32
    %add3A_52 = arith.constant 128 : i32
    %add3A_53 = arith.addi %mul3A_2, %add3A_52 : i32
    %add3A_54 = arith.constant 256 : i32
    %add3A_55 = arith.addi %mul3A_2, %add3A_54 : i32
    %add3A_56 = arith.constant 384 : i32
    %add3A_57 = arith.addi %mul3A_2, %add3A_56 : i32
    %dma_wait3A = arith.constant 0 : i32
    %dma_wait3A_58 = arith.constant 0 : i32
    %dma_wait3A_59 = tpu.memref_slice %arg8[%dma_wait3A, %dma_wait3A_58] : memref<12x128xi32, #tpu.memory_space<vmem>> -> memref<4x128xi32, #tpu.memory_space<vmem>>
    %dma_wait3A_60 = arith.constant 0 : i32
    %dma_wait3A_61 = tpu.memref_slice %arg2[%mul3A_4, %dma_wait3A_60] : memref<128x128xi32, #tpu.memory_space<hbm>> -> memref<4x128xi32, #tpu.memory_space<hbm>>
    %dma_wait3A_62 = arith.constant 0 : i32
    %dma_wait3A_63 = arith.constant 0 : i32
    %dma_wait3A_64 = tpu.memref_slice %arg8[%dma_wait3A_62, %dma_wait3A_63] : memref<12x128xi32, #tpu.memory_space<vmem>> -> memref<4x128xi32, #tpu.memory_space<vmem>>
    %dma_wait3A_65 = arith.constant 0 : i32
    %dma_wait3A_66 = tpu.memref_slice %arg2[%mul3A_4, %dma_wait3A_65] : memref<128x128xi32, #tpu.memory_space<hbm>> -> memref<4x128xi32, #tpu.memory_space<hbm>>
    tpu.wait_dma2 semaphore(%arg24 : memref<!tpu.dma_semaphore, #tpu.memory_space<semaphore_mem>>) src(%dma_wait3A_66 : memref<4x128xi32, #tpu.memory_space<hbm>>) dst(%dma_wait3A_64 : memref<4x128xi32, #tpu.memory_space<vmem>>)
    %dma_start3A_67 = arith.constant 0 : i32
    %dma_start3A_68 = arith.constant 0 : i32
    %dma_start3A_69 = arith.constant 0 : i32
    %dma_start3A_70 = arith.constant 0 : i32
    %dma_start3A_71 = tpu.memref_slice %arg9[%dma_start3A_68, %dma_start3A_69, %dma_start3A_70] : memref<7x128x128xf32, #tpu.memory_space<vmem>> -> memref<1x128x128xf32, #tpu.memory_space<vmem>>
    %dma_start3A_72 = tpu.memref_squeeze %dma_start3A_71 : memref<1x128x128xf32, #tpu.memory_space<vmem>> -> memref<128x128xf32, #tpu.memory_space<vmem>>
    %dma_start3A_73 = arith.constant 0 : i32
    %dma_start3A_74 = tpu.memref_slice %arg8[%dma_start3A_67, %dma_start3A_73] : memref<12x128xi32, #tpu.memory_space<vmem>> -> memref<1x128xi32, #tpu.memory_space<vmem>>
    %dma_start3A_75 = tpu.memref_squeeze %dma_start3A_74 : memref<1x128xi32, #tpu.memory_space<vmem>> -> memref<128xi32, #tpu.memory_space<vmem>>
    %dma_start3A_76 = arith.constant 0 : i32
    %dma_start3A_77 = arith.constant 0 : i32
    %dma_start3A_78 = tpu.memref_slice %arg5[%dma_start3A_76, %dma_start3A_77] : memref<1000000x128xf32, #tpu.memory_space<hbm>> -> memref<1000000x128xf32, #tpu.memory_space<hbm>>
    tpu.enqueue_indirect_dma source(%dma_start3A_78 : memref<1000000x128xf32, #tpu.memory_space<hbm>>) target(%dma_start3A_72 : memref<128x128xf32, #tpu.memory_space<vmem>>) offsets(%dma_start3A_75 : memref<128xi32, #tpu.memory_space<vmem>>) semaphore(%arg10 : memref<!tpu.dma_semaphore, #tpu.memory_space<semaphore_mem>>)
    %dma_start3A_79 = arith.constant 1 : i32
    %dma_start3A_80 = arith.constant 1 : i32
    %dma_start3A_81 = arith.constant 0 : i32
    %dma_start3A_82 = arith.constant 0 : i32
    %dma_start3A_83 = tpu.memref_slice %arg9[%dma_start3A_80, %dma_start3A_81, %dma_start3A_82] : memref<7x128x128xf32, #tpu.memory_space<vmem>> -> memref<1x128x128xf32, #tpu.memory_space<vmem>>
    %dma_start3A_84 = tpu.memref_squeeze %dma_start3A_83 : memref<1x128x128xf32, #tpu.memory_space<vmem>> -> memref<128x128xf32, #tpu.memory_space<vmem>>
    %dma_start3A_85 = arith.constant 0 : i32
    %dma_start3A_86 = tpu.memref_slice %arg8[%dma_start3A_79, %dma_start3A_85] : memref<12x128xi32, #tpu.memory_space<vmem>> -> memref<1x128xi32, #tpu.memory_space<vmem>>
    %dma_start3A_87 = tpu.memref_squeeze %dma_start3A_86 : memref<1x128xi32, #tpu.memory_space<vmem>> -> memref<128xi32, #tpu.memory_space<vmem>>
    %dma_start3A_88 = arith.constant 0 : i32
    %dma_start3A_89 = arith.constant 0 : i32
    %dma_start3A_90 = tpu.memref_slice %arg5[%dma_start3A_88, %dma_start3A_89] : memref<1000000x128xf32, #tpu.memory_space<hbm>> -> memref<1000000x128xf32, #tpu.memory_space<hbm>>
    tpu.enqueue_indirect_dma source(%dma_start3A_90 : memref<1000000x128xf32, #tpu.memory_space<hbm>>) target(%dma_start3A_84 : memref<128x128xf32, #tpu.memory_space<vmem>>) offsets(%dma_start3A_87 : memref<128xi32, #tpu.memory_space<vmem>>) semaphore(%arg11 : memref<!tpu.dma_semaphore, #tpu.memory_space<semaphore_mem>>)
    %dma_start3A_91 = arith.constant 2 : i32
    %dma_start3A_92 = arith.constant 2 : i32
    %dma_start3A_93 = arith.constant 0 : i32
    %dma_start3A_94 = arith.constant 0 : i32
    %dma_start3A_95 = tpu.memref_slice %arg9[%dma_start3A_92, %dma_start3A_93, %dma_start3A_94] : memref<7x128x128xf32, #tpu.memory_space<vmem>> -> memref<1x128x128xf32, #tpu.memory_space<vmem>>
    %dma_start3A_96 = tpu.memref_squeeze %dma_start3A_95 : memref<1x128x128xf32, #tpu.memory_space<vmem>> -> memref<128x128xf32, #tpu.memory_space<vmem>>
    %dma_start3A_97 = arith.constant 0 : i32
    %dma_start3A_98 = tpu.memref_slice %arg8[%dma_start3A_91, %dma_start3A_97] : memref<12x128xi32, #tpu.memory_space<vmem>> -> memref<1x128xi32, #tpu.memory_space<vmem>>
    %dma_start3A_99 = tpu.memref_squeeze %dma_start3A_98 : memref<1x128xi32, #tpu.memory_space<vmem>> -> memref<128xi32, #tpu.memory_space<vmem>>
    %dma_start3A_100 = arith.constant 0 : i32
    %dma_start3A_101 = arith.constant 0 : i32
    %dma_start3A_102 = tpu.memref_slice %arg5[%dma_start3A_100, %dma_start3A_101] : memref<1000000x128xf32, #tpu.memory_space<hbm>> -> memref<1000000x128xf32, #tpu.memory_space<hbm>>
    tpu.enqueue_indirect_dma source(%dma_start3A_102 : memref<1000000x128xf32, #tpu.memory_space<hbm>>) target(%dma_start3A_96 : memref<128x128xf32, #tpu.memory_space<vmem>>) offsets(%dma_start3A_99 : memref<128xi32, #tpu.memory_space<vmem>>) semaphore(%arg12 : memref<!tpu.dma_semaphore, #tpu.memory_space<semaphore_mem>>)
    %dma_start3A_103 = arith.constant 3 : i32
    %dma_start3A_104 = arith.constant 3 : i32
    %dma_start3A_105 = arith.constant 0 : i32
    %dma_start3A_106 = arith.constant 0 : i32
    %dma_start3A_107 = tpu.memref_slice %arg9[%dma_start3A_104, %dma_start3A_105, %dma_start3A_106] : memref<7x128x128xf32, #tpu.memory_space<vmem>> -> memref<1x128x128xf32, #tpu.memory_space<vmem>>
    %dma_start3A_108 = tpu.memref_squeeze %dma_start3A_107 : memref<1x128x128xf32, #tpu.memory_space<vmem>> -> memref<128x128xf32, #tpu.memory_space<vmem>>
    %dma_start3A_109 = arith.constant 0 : i32
    %dma_start3A_110 = tpu.memref_slice %arg8[%dma_start3A_103, %dma_start3A_109] : memref<12x128xi32, #tpu.memory_space<vmem>> -> memref<1x128xi32, #tpu.memory_space<vmem>>
    %dma_start3A_111 = tpu.memref_squeeze %dma_start3A_110 : memref<1x128xi32, #tpu.memory_space<vmem>> -> memref<128xi32, #tpu.memory_space<vmem>>
    %dma_start3A_112 = arith.constant 0 : i32
    %dma_start3A_113 = arith.constant 0 : i32
    %dma_start3A_114 = tpu.memref_slice %arg5[%dma_start3A_112, %dma_start3A_113] : memref<1000000x128xf32, #tpu.memory_space<hbm>> -> memref<1000000x128xf32, #tpu.memory_space<hbm>>
    tpu.enqueue_indirect_dma source(%dma_start3A_114 : memref<1000000x128xf32, #tpu.memory_space<hbm>>) target(%dma_start3A_108 : memref<128x128xf32, #tpu.memory_space<vmem>>) offsets(%dma_start3A_111 : memref<128xi32, #tpu.memory_space<vmem>>) semaphore(%arg13 : memref<!tpu.dma_semaphore, #tpu.memory_space<semaphore_mem>>)
    %dma_wait3A_115 = arith.constant 4 : i32
    %dma_wait3A_116 = arith.constant 0 : i32
    %dma_wait3A_117 = tpu.memref_slice %arg8[%dma_wait3A_115, %dma_wait3A_116] : memref<12x128xi32, #tpu.memory_space<vmem>> -> memref<4x128xi32, #tpu.memory_space<vmem>>
    %dma_wait3A_118 = arith.constant 0 : i32
    %dma_wait3A_119 = tpu.memref_slice %arg3[%mul3A_4, %dma_wait3A_118] : memref<128x128xi32, #tpu.memory_space<hbm>> -> memref<4x128xi32, #tpu.memory_space<hbm>>
    %dma_wait3A_120 = arith.constant 4 : i32
    %dma_wait3A_121 = arith.constant 0 : i32
    %dma_wait3A_122 = tpu.memref_slice %arg8[%dma_wait3A_120, %dma_wait3A_121] : memref<12x128xi32, #tpu.memory_space<vmem>> -> memref<4x128xi32, #tpu.memory_space<vmem>>
    %dma_wait3A_123 = arith.constant 0 : i32
    %dma_wait3A_124 = tpu.memref_slice %arg3[%mul3A_4, %dma_wait3A_123] : memref<128x128xi32, #tpu.memory_space<hbm>> -> memref<4x128xi32, #tpu.memory_space<hbm>>
    tpu.wait_dma2 semaphore(%arg24 : memref<!tpu.dma_semaphore, #tpu.memory_space<semaphore_mem>>) src(%dma_wait3A_124 : memref<4x128xi32, #tpu.memory_space<hbm>>) dst(%dma_wait3A_122 : memref<4x128xi32, #tpu.memory_space<vmem>>)
    %dma_start3A_125 = arith.constant 4 : i32
    %dma_start3A_126 = arith.constant 4 : i32
    %dma_start3A_127 = arith.constant 0 : i32
    %dma_start3A_128 = arith.constant 0 : i32
    %dma_start3A_129 = tpu.memref_slice %arg9[%dma_start3A_126, %dma_start3A_127, %dma_start3A_128] : memref<7x128x128xf32, #tpu.memory_space<vmem>> -> memref<1x128x128xf32, #tpu.memory_space<vmem>>
    %dma_start3A_130 = tpu.memref_squeeze %dma_start3A_129 : memref<1x128x128xf32, #tpu.memory_space<vmem>> -> memref<128x128xf32, #tpu.memory_space<vmem>>
    %dma_start3A_131 = arith.constant 0 : i32
    %dma_start3A_132 = tpu.memref_slice %arg8[%dma_start3A_125, %dma_start3A_131] : memref<12x128xi32, #tpu.memory_space<vmem>> -> memref<1x128xi32, #tpu.memory_space<vmem>>
    %dma_start3A_133 = tpu.memref_squeeze %dma_start3A_132 : memref<1x128xi32, #tpu.memory_space<vmem>> -> memref<128xi32, #tpu.memory_space<vmem>>
    %dma_start3A_134 = arith.constant 0 : i32
    %dma_start3A_135 = arith.constant 0 : i32
    %dma_start3A_136 = tpu.memref_slice %arg6[%dma_start3A_134, %dma_start3A_135] : memref<1000000x128xf32, #tpu.memory_space<hbm>> -> memref<1000000x128xf32, #tpu.memory_space<hbm>>
    tpu.enqueue_indirect_dma source(%dma_start3A_136 : memref<1000000x128xf32, #tpu.memory_space<hbm>>) target(%dma_start3A_130 : memref<128x128xf32, #tpu.memory_space<vmem>>) offsets(%dma_start3A_133 : memref<128xi32, #tpu.memory_space<vmem>>) semaphore(%arg14 : memref<!tpu.dma_semaphore, #tpu.memory_space<semaphore_mem>>)
    %dma_wait3A_137 = arith.constant 0 : i32
    %dma_wait3A_138 = arith.constant 0 : i32
    %dma_wait3A_139 = arith.constant 0 : i32
    %dma_wait3A_140 = arith.constant 0 : i32
    %dma_wait3A_141 = tpu.memref_slice %arg9[%dma_wait3A_138, %dma_wait3A_139, %dma_wait3A_140] : memref<7x128x128xf32, #tpu.memory_space<vmem>> -> memref<1x128x128xf32, #tpu.memory_space<vmem>>
    %dma_wait3A_142 = tpu.memref_squeeze %dma_wait3A_141 : memref<1x128x128xf32, #tpu.memory_space<vmem>> -> memref<128x128xf32, #tpu.memory_space<vmem>>
    %dma_wait3A_143 = arith.constant 0 : i32
    %dma_wait3A_144 = tpu.memref_slice %arg8[%dma_wait3A_137, %dma_wait3A_143] : memref<12x128xi32, #tpu.memory_space<vmem>> -> memref<1x128xi32, #tpu.memory_space<vmem>>
    %dma_wait3A_145 = tpu.memref_squeeze %dma_wait3A_144 : memref<1x128xi32, #tpu.memory_space<vmem>> -> memref<128xi32, #tpu.memory_space<vmem>>
    %dma_wait3A_146 = arith.constant 0 : i32
    %dma_wait3A_147 = arith.constant 0 : i32
    %dma_wait3A_148 = tpu.memref_slice %arg5[%dma_wait3A_146, %dma_wait3A_147] : memref<1000000x128xf32, #tpu.memory_space<hbm>> -> memref<1000000x128xf32, #tpu.memory_space<hbm>>
    tpu.wait_indirect_dma semaphore(%arg10 : memref<!tpu.dma_semaphore, #tpu.memory_space<semaphore_mem>>) src(%dma_wait3A_148 : memref<1000000x128xf32, #tpu.memory_space<hbm>>) dst(%dma_wait3A_142 : memref<128x128xf32, #tpu.memory_space<vmem>>)
    %dma_start3A_149 = arith.constant 0 : i32
    %dma_start3A_150 = arith.constant 0 : i32
    %dma_start3A_151 = arith.constant 0 : i32
    %dma_start3A_152 = arith.constant 0 : i32
    %dma_start3A_153 = tpu.memref_slice %arg9[%dma_start3A_149, %dma_start3A_151, %dma_start3A_152] : memref<7x128x128xf32, #tpu.memory_space<vmem>> -> memref<1x128x128xf32, #tpu.memory_space<vmem>>
    %dma_start3A_154 = tpu.memref_squeeze %dma_start3A_153 : memref<1x128x128xf32, #tpu.memory_space<vmem>> -> memref<128x128xf32, #tpu.memory_space<vmem>>
    %dma_start3A_155 = arith.constant 0 : i32
    %dma_start3A_156 = tpu.memref_slice %arg7[%dma_start3A_150, %add3A_35, %dma_start3A_155] : memref<3x16384x128xf32, #tpu.memory_space<hbm>> -> memref<1x128x128xf32, #tpu.memory_space<hbm>>
    %dma_start3A_157 = tpu.memref_squeeze %dma_start3A_156 : memref<1x128x128xf32, #tpu.memory_space<hbm>> -> memref<128x128xf32, #tpu.memory_space<hbm>>
    %dma_start3A_158 = arith.constant 0 : i32
    %dma_start3A_159 = tpu.memref_slice %arg7[%dma_start3A_150, %add3A_35, %dma_start3A_158] : memref<3x16384x128xf32, #tpu.memory_space<hbm>> -> memref<1x128x128xf32, #tpu.memory_space<hbm>>
    %dma_start3A_160 = tpu.memref_squeeze %dma_start3A_159 : memref<1x128x128xf32, #tpu.memory_space<hbm>> -> memref<128x128xf32, #tpu.memory_space<hbm>>
    %dma_start3A_161 = arith.constant 0 : i32
    %dma_start3A_162 = arith.constant 0 : i32
    %dma_start3A_163 = tpu.memref_slice %arg9[%dma_start3A_149, %dma_start3A_161, %dma_start3A_162] : memref<7x128x128xf32, #tpu.memory_space<vmem>> -> memref<1x128x128xf32, #tpu.memory_space<vmem>>
    %dma_start3A_164 = tpu.memref_squeeze %dma_start3A_163 : memref<1x128x128xf32, #tpu.memory_space<vmem>> -> memref<128x128xf32, #tpu.memory_space<vmem>>
    tpu.enqueue_dma source(%dma_start3A_164 : memref<128x128xf32, #tpu.memory_space<vmem>>) target(%dma_start3A_160 : memref<128x128xf32, #tpu.memory_space<hbm>>) target_semaphore(%arg17 : memref<!tpu.dma_semaphore, #tpu.memory_space<semaphore_mem>>)
    %dma_start3A_165 = arith.constant 5 : i32
    %dma_start3A_166 = arith.constant 5 : i32
    %dma_start3A_167 = arith.constant 0 : i32
    %dma_start3A_168 = arith.constant 0 : i32
    %dma_start3A_169 = tpu.memref_slice %arg9[%dma_start3A_166, %dma_start3A_167, %dma_start3A_168] : memref<7x128x128xf32, #tpu.memory_space<vmem>> -> memref<1x128x128xf32, #tpu.memory_space<vmem>>
    %dma_start3A_170 = tpu.memref_squeeze %dma_start3A_169 : memref<1x128x128xf32, #tpu.memory_space<vmem>> -> memref<128x128xf32, #tpu.memory_space<vmem>>
    %dma_start3A_171 = arith.constant 0 : i32
    %dma_start3A_172 = tpu.memref_slice %arg8[%dma_start3A_165, %dma_start3A_171] : memref<12x128xi32, #tpu.memory_space<vmem>> -> memref<1x128xi32, #tpu.memory_space<vmem>>
    %dma_start3A_173 = tpu.memref_squeeze %dma_start3A_172 : memref<1x128xi32, #tpu.memory_space<vmem>> -> memref<128xi32, #tpu.memory_space<vmem>>
    %dma_start3A_174 = arith.constant 0 : i32
    %dma_start3A_175 = arith.constant 0 : i32
    %dma_start3A_176 = tpu.memref_slice %arg6[%dma_start3A_174, %dma_start3A_175] : memref<1000000x128xf32, #tpu.memory_space<hbm>> -> memref<1000000x128xf32, #tpu.memory_space<hbm>>
    tpu.enqueue_indirect_dma source(%dma_start3A_176 : memref<1000000x128xf32, #tpu.memory_space<hbm>>) target(%dma_start3A_170 : memref<128x128xf32, #tpu.memory_space<vmem>>) offsets(%dma_start3A_173 : memref<128xi32, #tpu.memory_space<vmem>>) semaphore(%arg15 : memref<!tpu.dma_semaphore, #tpu.memory_space<semaphore_mem>>)
    %dma_wait3A_177 = arith.constant 1 : i32
    %dma_wait3A_178 = arith.constant 1 : i32
    %dma_wait3A_179 = arith.constant 0 : i32
    %dma_wait3A_180 = arith.constant 0 : i32
    %dma_wait3A_181 = tpu.memref_slice %arg9[%dma_wait3A_178, %dma_wait3A_179, %dma_wait3A_180] : memref<7x128x128xf32, #tpu.memory_space<vmem>> -> memref<1x128x128xf32, #tpu.memory_space<vmem>>
    %dma_wait3A_182 = tpu.memref_squeeze %dma_wait3A_181 : memref<1x128x128xf32, #tpu.memory_space<vmem>> -> memref<128x128xf32, #tpu.memory_space<vmem>>
    %dma_wait3A_183 = arith.constant 0 : i32
    %dma_wait3A_184 = tpu.memref_slice %arg8[%dma_wait3A_177, %dma_wait3A_183] : memref<12x128xi32, #tpu.memory_space<vmem>> -> memref<1x128xi32, #tpu.memory_space<vmem>>
    %dma_wait3A_185 = tpu.memref_squeeze %dma_wait3A_184 : memref<1x128xi32, #tpu.memory_space<vmem>> -> memref<128xi32, #tpu.memory_space<vmem>>
    %dma_wait3A_186 = arith.constant 0 : i32
    %dma_wait3A_187 = arith.constant 0 : i32
    %dma_wait3A_188 = tpu.memref_slice %arg5[%dma_wait3A_186, %dma_wait3A_187] : memref<1000000x128xf32, #tpu.memory_space<hbm>> -> memref<1000000x128xf32, #tpu.memory_space<hbm>>
    tpu.wait_indirect_dma semaphore(%arg11 : memref<!tpu.dma_semaphore, #tpu.memory_space<semaphore_mem>>) src(%dma_wait3A_188 : memref<1000000x128xf32, #tpu.memory_space<hbm>>) dst(%dma_wait3A_182 : memref<128x128xf32, #tpu.memory_space<vmem>>)
    %dma_start3A_189 = arith.constant 1 : i32
    %dma_start3A_190 = arith.constant 0 : i32
    %dma_start3A_191 = arith.constant 0 : i32
    %dma_start3A_192 = arith.constant 0 : i32
    %dma_start3A_193 = tpu.memref_slice %arg9[%dma_start3A_189, %dma_start3A_191, %dma_start3A_192] : memref<7x128x128xf32, #tpu.memory_space<vmem>> -> memref<1x128x128xf32, #tpu.memory_space<vmem>>
    %dma_start3A_194 = tpu.memref_squeeze %dma_start3A_193 : memref<1x128x128xf32, #tpu.memory_space<vmem>> -> memref<128x128xf32, #tpu.memory_space<vmem>>
    %dma_start3A_195 = arith.constant 0 : i32
    %dma_start3A_196 = tpu.memref_slice %arg7[%dma_start3A_190, %add3A_37, %dma_start3A_195] : memref<3x16384x128xf32, #tpu.memory_space<hbm>> -> memref<1x128x128xf32, #tpu.memory_space<hbm>>
    %dma_start3A_197 = tpu.memref_squeeze %dma_start3A_196 : memref<1x128x128xf32, #tpu.memory_space<hbm>> -> memref<128x128xf32, #tpu.memory_space<hbm>>
    %dma_start3A_198 = arith.constant 0 : i32
    %dma_start3A_199 = tpu.memref_slice %arg7[%dma_start3A_190, %add3A_37, %dma_start3A_198] : memref<3x16384x128xf32, #tpu.memory_space<hbm>> -> memref<1x128x128xf32, #tpu.memory_space<hbm>>
    %dma_start3A_200 = tpu.memref_squeeze %dma_start3A_199 : memref<1x128x128xf32, #tpu.memory_space<hbm>> -> memref<128x128xf32, #tpu.memory_space<hbm>>
    %dma_start3A_201 = arith.constant 0 : i32
    %dma_start3A_202 = arith.constant 0 : i32
    %dma_start3A_203 = tpu.memref_slice %arg9[%dma_start3A_189, %dma_start3A_201, %dma_start3A_202] : memref<7x128x128xf32, #tpu.memory_space<vmem>> -> memref<1x128x128xf32, #tpu.memory_space<vmem>>
    %dma_start3A_204 = tpu.memref_squeeze %dma_start3A_203 : memref<1x128x128xf32, #tpu.memory_space<vmem>> -> memref<128x128xf32, #tpu.memory_space<vmem>>
    tpu.enqueue_dma source(%dma_start3A_204 : memref<128x128xf32, #tpu.memory_space<vmem>>) target(%dma_start3A_200 : memref<128x128xf32, #tpu.memory_space<hbm>>) target_semaphore(%arg18 : memref<!tpu.dma_semaphore, #tpu.memory_space<semaphore_mem>>)
    %dma_start3A_205 = arith.constant 6 : i32
    %dma_start3A_206 = arith.constant 6 : i32
    %dma_start3A_207 = arith.constant 0 : i32
    %dma_start3A_208 = arith.constant 0 : i32
    %dma_start3A_209 = tpu.memref_slice %arg9[%dma_start3A_206, %dma_start3A_207, %dma_start3A_208] : memref<7x128x128xf32, #tpu.memory_space<vmem>> -> memref<1x128x128xf32, #tpu.memory_space<vmem>>
    %dma_start3A_210 = tpu.memref_squeeze %dma_start3A_209 : memref<1x128x128xf32, #tpu.memory_space<vmem>> -> memref<128x128xf32, #tpu.memory_space<vmem>>
    %dma_start3A_211 = arith.constant 0 : i32
    %dma_start3A_212 = tpu.memref_slice %arg8[%dma_start3A_205, %dma_start3A_211] : memref<12x128xi32, #tpu.memory_space<vmem>> -> memref<1x128xi32, #tpu.memory_space<vmem>>
    %dma_start3A_213 = tpu.memref_squeeze %dma_start3A_212 : memref<1x128xi32, #tpu.memory_space<vmem>> -> memref<128xi32, #tpu.memory_space<vmem>>
    %dma_start3A_214 = arith.constant 0 : i32
    %dma_start3A_215 = arith.constant 0 : i32
    %dma_start3A_216 = tpu.memref_slice %arg6[%dma_start3A_214, %dma_start3A_215] : memref<1000000x128xf32, #tpu.memory_space<hbm>> -> memref<1000000x128xf32, #tpu.memory_space<hbm>>
    tpu.enqueue_indirect_dma source(%dma_start3A_216 : memref<1000000x128xf32, #tpu.memory_space<hbm>>) target(%dma_start3A_210 : memref<128x128xf32, #tpu.memory_space<vmem>>) offsets(%dma_start3A_213 : memref<128xi32, #tpu.memory_space<vmem>>) semaphore(%arg16 : memref<!tpu.dma_semaphore, #tpu.memory_space<semaphore_mem>>)
    %dma_wait3A_217 = arith.constant 2 : i32
    %dma_wait3A_218 = arith.constant 2 : i32
    %dma_wait3A_219 = arith.constant 0 : i32
    %dma_wait3A_220 = arith.constant 0 : i32
    %dma_wait3A_221 = tpu.memref_slice %arg9[%dma_wait3A_218, %dma_wait3A_219, %dma_wait3A_220] : memref<7x128x128xf32, #tpu.memory_space<vmem>> -> memref<1x128x128xf32, #tpu.memory_space<vmem>>
    %dma_wait3A_222 = tpu.memref_squeeze %dma_wait3A_221 : memref<1x128x128xf32, #tpu.memory_space<vmem>> -> memref<128x128xf32, #tpu.memory_space<vmem>>
    %dma_wait3A_223 = arith.constant 0 : i32
    %dma_wait3A_224 = tpu.memref_slice %arg8[%dma_wait3A_217, %dma_wait3A_223] : memref<12x128xi32, #tpu.memory_space<vmem>> -> memref<1x128xi32, #tpu.memory_space<vmem>>
    %dma_wait3A_225 = tpu.memref_squeeze %dma_wait3A_224 : memref<1x128xi32, #tpu.memory_space<vmem>> -> memref<128xi32, #tpu.memory_space<vmem>>
    %dma_wait3A_226 = arith.constant 0 : i32
    %dma_wait3A_227 = arith.constant 0 : i32
    %dma_wait3A_228 = tpu.memref_slice %arg5[%dma_wait3A_226, %dma_wait3A_227] : memref<1000000x128xf32, #tpu.memory_space<hbm>> -> memref<1000000x128xf32, #tpu.memory_space<hbm>>
    tpu.wait_indirect_dma semaphore(%arg12 : memref<!tpu.dma_semaphore, #tpu.memory_space<semaphore_mem>>) src(%dma_wait3A_228 : memref<1000000x128xf32, #tpu.memory_space<hbm>>) dst(%dma_wait3A_222 : memref<128x128xf32, #tpu.memory_space<vmem>>)
    %dma_start3A_229 = arith.constant 2 : i32
    %dma_start3A_230 = arith.constant 0 : i32
    %dma_start3A_231 = arith.constant 0 : i32
    %dma_start3A_232 = arith.constant 0 : i32
    %dma_start3A_233 = tpu.memref_slice %arg9[%dma_start3A_229, %dma_start3A_231, %dma_start3A_232] : memref<7x128x128xf32, #tpu.memory_space<vmem>> -> memref<1x128x128xf32, #tpu.memory_space<vmem>>
    %dma_start3A_234 = tpu.memref_squeeze %dma_start3A_233 : memref<1x128x128xf32, #tpu.memory_space<vmem>> -> memref<128x128xf32, #tpu.memory_space<vmem>>
    %dma_start3A_235 = arith.constant 0 : i32
    %dma_start3A_236 = tpu.memref_slice %arg7[%dma_start3A_230, %add3A_39, %dma_start3A_235] : memref<3x16384x128xf32, #tpu.memory_space<hbm>> -> memref<1x128x128xf32, #tpu.memory_space<hbm>>
    %dma_start3A_237 = tpu.memref_squeeze %dma_start3A_236 : memref<1x128x128xf32, #tpu.memory_space<hbm>> -> memref<128x128xf32, #tpu.memory_space<hbm>>
    %dma_start3A_238 = arith.constant 0 : i32
    %dma_start3A_239 = tpu.memref_slice %arg7[%dma_start3A_230, %add3A_39, %dma_start3A_238] : memref<3x16384x128xf32, #tpu.memory_space<hbm>> -> memref<1x128x128xf32, #tpu.memory_space<hbm>>
    %dma_start3A_240 = tpu.memref_squeeze %dma_start3A_239 : memref<1x128x128xf32, #tpu.memory_space<hbm>> -> memref<128x128xf32, #tpu.memory_space<hbm>>
    %dma_start3A_241 = arith.constant 0 : i32
    %dma_start3A_242 = arith.constant 0 : i32
    %dma_start3A_243 = tpu.memref_slice %arg9[%dma_start3A_229, %dma_start3A_241, %dma_start3A_242] : memref<7x128x128xf32, #tpu.memory_space<vmem>> -> memref<1x128x128xf32, #tpu.memory_space<vmem>>
    %dma_start3A_244 = tpu.memref_squeeze %dma_start3A_243 : memref<1x128x128xf32, #tpu.memory_space<vmem>> -> memref<128x128xf32, #tpu.memory_space<vmem>>
    tpu.enqueue_dma source(%dma_start3A_244 : memref<128x128xf32, #tpu.memory_space<vmem>>) target(%dma_start3A_240 : memref<128x128xf32, #tpu.memory_space<hbm>>) target_semaphore(%arg19 : memref<!tpu.dma_semaphore, #tpu.memory_space<semaphore_mem>>)
    %dma_wait3A_245 = arith.constant 0 : i32
    %dma_wait3A_246 = arith.constant 0 : i32
    %dma_wait3A_247 = arith.constant 0 : i32
    %dma_wait3A_248 = arith.constant 0 : i32
    %dma_wait3A_249 = tpu.memref_slice %arg9[%dma_wait3A_245, %dma_wait3A_247, %dma_wait3A_248] : memref<7x128x128xf32, #tpu.memory_space<vmem>> -> memref<1x128x128xf32, #tpu.memory_space<vmem>>
    %dma_wait3A_250 = tpu.memref_squeeze %dma_wait3A_249 : memref<1x128x128xf32, #tpu.memory_space<vmem>> -> memref<128x128xf32, #tpu.memory_space<vmem>>
    %dma_wait3A_251 = arith.constant 0 : i32
    %dma_wait3A_252 = tpu.memref_slice %arg7[%dma_wait3A_246, %add3A_35, %dma_wait3A_251] : memref<3x16384x128xf32, #tpu.memory_space<hbm>> -> memref<1x128x128xf32, #tpu.memory_space<hbm>>
    %dma_wait3A_253 = tpu.memref_squeeze %dma_wait3A_252 : memref<1x128x128xf32, #tpu.memory_space<hbm>> -> memref<128x128xf32, #tpu.memory_space<hbm>>
    %dma_wait3A_254 = arith.constant 0 : i32
    %dma_wait3A_255 = tpu.memref_slice %arg7[%dma_wait3A_246, %add3A_35, %dma_wait3A_254] : memref<3x16384x128xf32, #tpu.memory_space<hbm>> -> memref<1x128x128xf32, #tpu.memory_space<hbm>>
    %dma_wait3A_256 = tpu.memref_squeeze %dma_wait3A_255 : memref<1x128x128xf32, #tpu.memory_space<hbm>> -> memref<128x128xf32, #tpu.memory_space<hbm>>
    %dma_wait3A_257 = arith.constant 0 : i32
    %dma_wait3A_258 = arith.constant 0 : i32
    %dma_wait3A_259 = tpu.memref_slice %arg9[%dma_wait3A_245, %dma_wait3A_257, %dma_wait3A_258] : memref<7x128x128xf32, #tpu.memory_space<vmem>> -> memref<1x128x128xf32, #tpu.memory_space<vmem>>
    %dma_wait3A_260 = tpu.memref_squeeze %dma_wait3A_259 : memref<1x128x128xf32, #tpu.memory_space<vmem>> -> memref<128x128xf32, #tpu.memory_space<vmem>>
    tpu.wait_dma2 semaphore(%arg17 : memref<!tpu.dma_semaphore, #tpu.memory_space<semaphore_mem>>) src(%dma_wait3A_260 : memref<128x128xf32, #tpu.memory_space<vmem>>) dst(%dma_wait3A_256 : memref<128x128xf32, #tpu.memory_space<hbm>>)
    %dma_start3A_261 = arith.constant 7 : i32
    %dma_start3A_262 = arith.constant 0 : i32
    %dma_start3A_263 = arith.constant 0 : i32
    %dma_start3A_264 = arith.constant 0 : i32
    %dma_start3A_265 = tpu.memref_slice %arg9[%dma_start3A_262, %dma_start3A_263, %dma_start3A_264] : memref<7x128x128xf32, #tpu.memory_space<vmem>> -> memref<1x128x128xf32, #tpu.memory_space<vmem>>
    %dma_start3A_266 = tpu.memref_squeeze %dma_start3A_265 : memref<1x128x128xf32, #tpu.memory_space<vmem>> -> memref<128x128xf32, #tpu.memory_space<vmem>>
    %dma_start3A_267 = arith.constant 0 : i32
    %dma_start3A_268 = tpu.memref_slice %arg8[%dma_start3A_261, %dma_start3A_267] : memref<12x128xi32, #tpu.memory_space<vmem>> -> memref<1x128xi32, #tpu.memory_space<vmem>>
    %dma_start3A_269 = tpu.memref_squeeze %dma_start3A_268 : memref<1x128xi32, #tpu.memory_space<vmem>> -> memref<128xi32, #tpu.memory_space<vmem>>
    %dma_start3A_270 = arith.constant 0 : i32
    %dma_start3A_271 = arith.constant 0 : i32
    %dma_start3A_272 = tpu.memref_slice %arg6[%dma_start3A_270, %dma_start3A_271] : memref<1000000x128xf32, #tpu.memory_space<hbm>> -> memref<1000000x128xf32, #tpu.memory_space<hbm>>
    tpu.enqueue_indirect_dma source(%dma_start3A_272 : memref<1000000x128xf32, #tpu.memory_space<hbm>>) target(%dma_start3A_266 : memref<128x128xf32, #tpu.memory_space<vmem>>) offsets(%dma_start3A_269 : memref<128xi32, #tpu.memory_space<vmem>>) semaphore(%arg10 : memref<!tpu.dma_semaphore, #tpu.memory_space<semaphore_mem>>)
    %dma_wait3A_273 = arith.constant 3 : i32
    %dma_wait3A_274 = arith.constant 3 : i32
    %dma_wait3A_275 = arith.constant 0 : i32
    %dma_wait3A_276 = arith.constant 0 : i32
    %dma_wait3A_277 = tpu.memref_slice %arg9[%dma_wait3A_274, %dma_wait3A_275, %dma_wait3A_276] : memref<7x128x128xf32, #tpu.memory_space<vmem>> -> memref<1x128x128xf32, #tpu.memory_space<vmem>>
    %dma_wait3A_278 = tpu.memref_squeeze %dma_wait3A_277 : memref<1x128x128xf32, #tpu.memory_space<vmem>> -> memref<128x128xf32, #tpu.memory_space<vmem>>
    %dma_wait3A_279 = arith.constant 0 : i32
    %dma_wait3A_280 = tpu.memref_slice %arg8[%dma_wait3A_273, %dma_wait3A_279] : memref<12x128xi32, #tpu.memory_space<vmem>> -> memref<1x128xi32, #tpu.memory_space<vmem>>
    %dma_wait3A_281 = tpu.memref_squeeze %dma_wait3A_280 : memref<1x128xi32, #tpu.memory_space<vmem>> -> memref<128xi32, #tpu.memory_space<vmem>>
    %dma_wait3A_282 = arith.constant 0 : i32
    %dma_wait3A_283 = arith.constant 0 : i32
    %dma_wait3A_284 = tpu.memref_slice %arg5[%dma_wait3A_282, %dma_wait3A_283] : memref<1000000x128xf32, #tpu.memory_space<hbm>> -> memref<1000000x128xf32, #tpu.memory_space<hbm>>
    tpu.wait_indirect_dma semaphore(%arg13 : memref<!tpu.dma_semaphore, #tpu.memory_space<semaphore_mem>>) src(%dma_wait3A_284 : memref<1000000x128xf32, #tpu.memory_space<hbm>>) dst(%dma_wait3A_278 : memref<128x128xf32, #tpu.memory_space<vmem>>)
    %dma_start3A_285 = arith.constant 3 : i32
    %dma_start3A_286 = arith.constant 0 : i32
    %dma_start3A_287 = arith.constant 0 : i32
    %dma_start3A_288 = arith.constant 0 : i32
    %dma_start3A_289 = tpu.memref_slice %arg9[%dma_start3A_285, %dma_start3A_287, %dma_start3A_288] : memref<7x128x128xf32, #tpu.memory_space<vmem>> -> memref<1x128x128xf32, #tpu.memory_space<vmem>>
    %dma_start3A_290 = tpu.memref_squeeze %dma_start3A_289 : memref<1x128x128xf32, #tpu.memory_space<vmem>> -> memref<128x128xf32, #tpu.memory_space<vmem>>
    %dma_start3A_291 = arith.constant 0 : i32
    %dma_start3A_292 = tpu.memref_slice %arg7[%dma_start3A_286, %add3A_41, %dma_start3A_291] : memref<3x16384x128xf32, #tpu.memory_space<hbm>> -> memref<1x128x128xf32, #tpu.memory_space<hbm>>
    %dma_start3A_293 = tpu.memref_squeeze %dma_start3A_292 : memref<1x128x128xf32, #tpu.memory_space<hbm>> -> memref<128x128xf32, #tpu.memory_space<hbm>>
    %dma_start3A_294 = arith.constant 0 : i32
    %dma_start3A_295 = tpu.memref_slice %arg7[%dma_start3A_286, %add3A_41, %dma_start3A_294] : memref<3x16384x128xf32, #tpu.memory_space<hbm>> -> memref<1x128x128xf32, #tpu.memory_space<hbm>>
    %dma_start3A_296 = tpu.memref_squeeze %dma_start3A_295 : memref<1x128x128xf32, #tpu.memory_space<hbm>> -> memref<128x128xf32, #tpu.memory_space<hbm>>
    %dma_start3A_297 = arith.constant 0 : i32
    %dma_start3A_298 = arith.constant 0 : i32
    %dma_start3A_299 = tpu.memref_slice %arg9[%dma_start3A_285, %dma_start3A_297, %dma_start3A_298] : memref<7x128x128xf32, #tpu.memory_space<vmem>> -> memref<1x128x128xf32, #tpu.memory_space<vmem>>
    %dma_start3A_300 = tpu.memref_squeeze %dma_start3A_299 : memref<1x128x128xf32, #tpu.memory_space<vmem>> -> memref<128x128xf32, #tpu.memory_space<vmem>>
    tpu.enqueue_dma source(%dma_start3A_300 : memref<128x128xf32, #tpu.memory_space<vmem>>) target(%dma_start3A_296 : memref<128x128xf32, #tpu.memory_space<hbm>>) target_semaphore(%arg20 : memref<!tpu.dma_semaphore, #tpu.memory_space<semaphore_mem>>)
    %dma_wait3A_301 = arith.constant 8 : i32
    %dma_wait3A_302 = arith.constant 0 : i32
    %dma_wait3A_303 = tpu.memref_slice %arg8[%dma_wait3A_301, %dma_wait3A_302] : memref<12x128xi32, #tpu.memory_space<vmem>> -> memref<4x128xi32, #tpu.memory_space<vmem>>
    %dma_wait3A_304 = arith.constant 0 : i32
    %dma_wait3A_305 = tpu.memref_slice %arg4[%mul3A_4, %dma_wait3A_304] : memref<128x128xi32, #tpu.memory_space<hbm>> -> memref<4x128xi32, #tpu.memory_space<hbm>>
    %dma_wait3A_306 = arith.constant 8 : i32
    %dma_wait3A_307 = arith.constant 0 : i32
    %dma_wait3A_308 = tpu.memref_slice %arg8[%dma_wait3A_306, %dma_wait3A_307] : memref<12x128xi32, #tpu.memory_space<vmem>> -> memref<4x128xi32, #tpu.memory_space<vmem>>
    %dma_wait3A_309 = arith.constant 0 : i32
    %dma_wait3A_310 = tpu.memref_slice %arg4[%mul3A_4, %dma_wait3A_309] : memref<128x128xi32, #tpu.memory_space<hbm>> -> memref<4x128xi32, #tpu.memory_space<hbm>>
    tpu.wait_dma2 semaphore(%arg24 : memref<!tpu.dma_semaphore, #tpu.memory_space<semaphore_mem>>) src(%dma_wait3A_310 : memref<4x128xi32, #tpu.memory_space<hbm>>) dst(%dma_wait3A_308 : memref<4x128xi32, #tpu.memory_space<vmem>>)
    %dma_wait3A_311 = arith.constant 1 : i32
    %dma_wait3A_312 = arith.constant 0 : i32
    %dma_wait3A_313 = arith.constant 0 : i32
    %dma_wait3A_314 = arith.constant 0 : i32
    %dma_wait3A_315 = tpu.memref_slice %arg9[%dma_wait3A_311, %dma_wait3A_313, %dma_wait3A_314] : memref<7x128x128xf32, #tpu.memory_space<vmem>> -> memref<1x128x128xf32, #tpu.memory_space<vmem>>
    %dma_wait3A_316 = tpu.memref_squeeze %dma_wait3A_315 : memref<1x128x128xf32, #tpu.memory_space<vmem>> -> memref<128x128xf32, #tpu.memory_space<vmem>>
    %dma_wait3A_317 = arith.constant 0 : i32
    %dma_wait3A_318 = tpu.memref_slice %arg7[%dma_wait3A_312, %add3A_37, %dma_wait3A_317] : memref<3x16384x128xf32, #tpu.memory_space<hbm>> -> memref<1x128x128xf32, #tpu.memory_space<hbm>>
    %dma_wait3A_319 = tpu.memref_squeeze %dma_wait3A_318 : memref<1x128x128xf32, #tpu.memory_space<hbm>> -> memref<128x128xf32, #tpu.memory_space<hbm>>
    %dma_wait3A_320 = arith.constant 0 : i32
    %dma_wait3A_321 = tpu.memref_slice %arg7[%dma_wait3A_312, %add3A_37, %dma_wait3A_320] : memref<3x16384x128xf32, #tpu.memory_space<hbm>> -> memref<1x128x128xf32, #tpu.memory_space<hbm>>
    %dma_wait3A_322 = tpu.memref_squeeze %dma_wait3A_321 : memref<1x128x128xf32, #tpu.memory_space<hbm>> -> memref<128x128xf32, #tpu.memory_space<hbm>>
    %dma_wait3A_323 = arith.constant 0 : i32
    %dma_wait3A_324 = arith.constant 0 : i32
    %dma_wait3A_325 = tpu.memref_slice %arg9[%dma_wait3A_311, %dma_wait3A_323, %dma_wait3A_324] : memref<7x128x128xf32, #tpu.memory_space<vmem>> -> memref<1x128x128xf32, #tpu.memory_space<vmem>>
    %dma_wait3A_326 = tpu.memref_squeeze %dma_wait3A_325 : memref<1x128x128xf32, #tpu.memory_space<vmem>> -> memref<128x128xf32, #tpu.memory_space<vmem>>
    tpu.wait_dma2 semaphore(%arg18 : memref<!tpu.dma_semaphore, #tpu.memory_space<semaphore_mem>>) src(%dma_wait3A_326 : memref<128x128xf32, #tpu.memory_space<vmem>>) dst(%dma_wait3A_322 : memref<128x128xf32, #tpu.memory_space<hbm>>)
    %dma_start3A_327 = arith.constant 8 : i32
    %dma_start3A_328 = arith.constant 1 : i32
    %dma_start3A_329 = arith.constant 0 : i32
    %dma_start3A_330 = arith.constant 0 : i32
    %dma_start3A_331 = tpu.memref_slice %arg9[%dma_start3A_328, %dma_start3A_329, %dma_start3A_330] : memref<7x128x128xf32, #tpu.memory_space<vmem>> -> memref<1x128x128xf32, #tpu.memory_space<vmem>>
    %dma_start3A_332 = tpu.memref_squeeze %dma_start3A_331 : memref<1x128x128xf32, #tpu.memory_space<vmem>> -> memref<128x128xf32, #tpu.memory_space<vmem>>
    %dma_start3A_333 = arith.constant 0 : i32
    %dma_start3A_334 = tpu.memref_slice %arg8[%dma_start3A_327, %dma_start3A_333] : memref<12x128xi32, #tpu.memory_space<vmem>> -> memref<1x128xi32, #tpu.memory_space<vmem>>
    %dma_start3A_335 = tpu.memref_squeeze %dma_start3A_334 : memref<1x128xi32, #tpu.memory_space<vmem>> -> memref<128xi32, #tpu.memory_space<vmem>>
    %dma_start3A_336 = arith.constant 0 : i32
    %dma_start3A_337 = arith.constant 0 : i32
    %dma_start3A_338 = tpu.memref_slice %arg6[%dma_start3A_336, %dma_start3A_337] : memref<1000000x128xf32, #tpu.memory_space<hbm>> -> memref<1000000x128xf32, #tpu.memory_space<hbm>>
    tpu.enqueue_indirect_dma source(%dma_start3A_338 : memref<1000000x128xf32, #tpu.memory_space<hbm>>) target(%dma_start3A_332 : memref<128x128xf32, #tpu.memory_space<vmem>>) offsets(%dma_start3A_335 : memref<128xi32, #tpu.memory_space<vmem>>) semaphore(%arg11 : memref<!tpu.dma_semaphore, #tpu.memory_space<semaphore_mem>>)
    %dma_wait3A_339 = arith.constant 4 : i32
    %dma_wait3A_340 = arith.constant 4 : i32
    %dma_wait3A_341 = arith.constant 0 : i32
    %dma_wait3A_342 = arith.constant 0 : i32
    %dma_wait3A_343 = tpu.memref_slice %arg9[%dma_wait3A_340, %dma_wait3A_341, %dma_wait3A_342] : memref<7x128x128xf32, #tpu.memory_space<vmem>> -> memref<1x128x128xf32, #tpu.memory_space<vmem>>
    %dma_wait3A_344 = tpu.memref_squeeze %dma_wait3A_343 : memref<1x128x128xf32, #tpu.memory_space<vmem>> -> memref<128x128xf32, #tpu.memory_space<vmem>>
    %dma_wait3A_345 = arith.constant 0 : i32
    %dma_wait3A_346 = tpu.memref_slice %arg8[%dma_wait3A_339, %dma_wait3A_345] : memref<12x128xi32, #tpu.memory_space<vmem>> -> memref<1x128xi32, #tpu.memory_space<vmem>>
    %dma_wait3A_347 = tpu.memref_squeeze %dma_wait3A_346 : memref<1x128xi32, #tpu.memory_space<vmem>> -> memref<128xi32, #tpu.memory_space<vmem>>
    %dma_wait3A_348 = arith.constant 0 : i32
    %dma_wait3A_349 = arith.constant 0 : i32
    %dma_wait3A_350 = tpu.memref_slice %arg6[%dma_wait3A_348, %dma_wait3A_349] : memref<1000000x128xf32, #tpu.memory_space<hbm>> -> memref<1000000x128xf32, #tpu.memory_space<hbm>>
    tpu.wait_indirect_dma semaphore(%arg14 : memref<!tpu.dma_semaphore, #tpu.memory_space<semaphore_mem>>) src(%dma_wait3A_350 : memref<1000000x128xf32, #tpu.memory_space<hbm>>) dst(%dma_wait3A_344 : memref<128x128xf32, #tpu.memory_space<vmem>>)
    %dma_start3A_351 = arith.constant 4 : i32
    %dma_start3A_352 = arith.constant 1 : i32
    %dma_start3A_353 = arith.constant 0 : i32
    %dma_start3A_354 = arith.constant 0 : i32
    %dma_start3A_355 = tpu.memref_slice %arg9[%dma_start3A_351, %dma_start3A_353, %dma_start3A_354] : memref<7x128x128xf32, #tpu.memory_space<vmem>> -> memref<1x128x128xf32, #tpu.memory_space<vmem>>
    %dma_start3A_356 = tpu.memref_squeeze %dma_start3A_355 : memref<1x128x128xf32, #tpu.memory_space<vmem>> -> memref<128x128xf32, #tpu.memory_space<vmem>>
    %dma_start3A_357 = arith.constant 0 : i32
    %dma_start3A_358 = tpu.memref_slice %arg7[%dma_start3A_352, %add3A_43, %dma_start3A_357] : memref<3x16384x128xf32, #tpu.memory_space<hbm>> -> memref<1x128x128xf32, #tpu.memory_space<hbm>>
    %dma_start3A_359 = tpu.memref_squeeze %dma_start3A_358 : memref<1x128x128xf32, #tpu.memory_space<hbm>> -> memref<128x128xf32, #tpu.memory_space<hbm>>
    %dma_start3A_360 = arith.constant 0 : i32
    %dma_start3A_361 = tpu.memref_slice %arg7[%dma_start3A_352, %add3A_43, %dma_start3A_360] : memref<3x16384x128xf32, #tpu.memory_space<hbm>> -> memref<1x128x128xf32, #tpu.memory_space<hbm>>
    %dma_start3A_362 = tpu.memref_squeeze %dma_start3A_361 : memref<1x128x128xf32, #tpu.memory_space<hbm>> -> memref<128x128xf32, #tpu.memory_space<hbm>>
    %dma_start3A_363 = arith.constant 0 : i32
    %dma_start3A_364 = arith.constant 0 : i32
    %dma_start3A_365 = tpu.memref_slice %arg9[%dma_start3A_351, %dma_start3A_363, %dma_start3A_364] : memref<7x128x128xf32, #tpu.memory_space<vmem>> -> memref<1x128x128xf32, #tpu.memory_space<vmem>>
    %dma_start3A_366 = tpu.memref_squeeze %dma_start3A_365 : memref<1x128x128xf32, #tpu.memory_space<vmem>> -> memref<128x128xf32, #tpu.memory_space<vmem>>
    tpu.enqueue_dma source(%dma_start3A_366 : memref<128x128xf32, #tpu.memory_space<vmem>>) target(%dma_start3A_362 : memref<128x128xf32, #tpu.memory_space<hbm>>) target_semaphore(%arg21 : memref<!tpu.dma_semaphore, #tpu.memory_space<semaphore_mem>>)
    %dma_wait3A_367 = arith.constant 2 : i32
    %dma_wait3A_368 = arith.constant 0 : i32
    %dma_wait3A_369 = arith.constant 0 : i32
    %dma_wait3A_370 = arith.constant 0 : i32
    %dma_wait3A_371 = tpu.memref_slice %arg9[%dma_wait3A_367, %dma_wait3A_369, %dma_wait3A_370] : memref<7x128x128xf32, #tpu.memory_space<vmem>> -> memref<1x128x128xf32, #tpu.memory_space<vmem>>
    %dma_wait3A_372 = tpu.memref_squeeze %dma_wait3A_371 : memref<1x128x128xf32, #tpu.memory_space<vmem>> -> memref<128x128xf32, #tpu.memory_space<vmem>>
    %dma_wait3A_373 = arith.constant 0 : i32
    %dma_wait3A_374 = tpu.memref_slice %arg7[%dma_wait3A_368, %add3A_39, %dma_wait3A_373] : memref<3x16384x128xf32, #tpu.memory_space<hbm>> -> memref<1x128x128xf32, #tpu.memory_space<hbm>>
    %dma_wait3A_375 = tpu.memref_squeeze %dma_wait3A_374 : memref<1x128x128xf32, #tpu.memory_space<hbm>> -> memref<128x128xf32, #tpu.memory_space<hbm>>
    %dma_wait3A_376 = arith.constant 0 : i32
    %dma_wait3A_377 = tpu.memref_slice %arg7[%dma_wait3A_368, %add3A_39, %dma_wait3A_376] : memref<3x16384x128xf32, #tpu.memory_space<hbm>> -> memref<1x128x128xf32, #tpu.memory_space<hbm>>
    %dma_wait3A_378 = tpu.memref_squeeze %dma_wait3A_377 : memref<1x128x128xf32, #tpu.memory_space<hbm>> -> memref<128x128xf32, #tpu.memory_space<hbm>>
    %dma_wait3A_379 = arith.constant 0 : i32
    %dma_wait3A_380 = arith.constant 0 : i32
    %dma_wait3A_381 = tpu.memref_slice %arg9[%dma_wait3A_367, %dma_wait3A_379, %dma_wait3A_380] : memref<7x128x128xf32, #tpu.memory_space<vmem>> -> memref<1x128x128xf32, #tpu.memory_space<vmem>>
    %dma_wait3A_382 = tpu.memref_squeeze %dma_wait3A_381 : memref<1x128x128xf32, #tpu.memory_space<vmem>> -> memref<128x128xf32, #tpu.memory_space<vmem>>
    tpu.wait_dma2 semaphore(%arg19 : memref<!tpu.dma_semaphore, #tpu.memory_space<semaphore_mem>>) src(%dma_wait3A_382 : memref<128x128xf32, #tpu.memory_space<vmem>>) dst(%dma_wait3A_378 : memref<128x128xf32, #tpu.memory_space<hbm>>)
    %dma_start3A_383 = arith.constant 9 : i32
    %dma_start3A_384 = arith.constant 2 : i32
    %dma_start3A_385 = arith.constant 0 : i32
    %dma_start3A_386 = arith.constant 0 : i32
    %dma_start3A_387 = tpu.memref_slice %arg9[%dma_start3A_384, %dma_start3A_385, %dma_start3A_386] : memref<7x128x128xf32, #tpu.memory_space<vmem>> -> memref<1x128x128xf32, #tpu.memory_space<vmem>>
    %dma_start3A_388 = tpu.memref_squeeze %dma_start3A_387 : memref<1x128x128xf32, #tpu.memory_space<vmem>> -> memref<128x128xf32, #tpu.memory_space<vmem>>
    %dma_start3A_389 = arith.constant 0 : i32
    %dma_start3A_390 = tpu.memref_slice %arg8[%dma_start3A_383, %dma_start3A_389] : memref<12x128xi32, #tpu.memory_space<vmem>> -> memref<1x128xi32, #tpu.memory_space<vmem>>
    %dma_start3A_391 = tpu.memref_squeeze %dma_start3A_390 : memref<1x128xi32, #tpu.memory_space<vmem>> -> memref<128xi32, #tpu.memory_space<vmem>>
    %dma_start3A_392 = arith.constant 0 : i32
    %dma_start3A_393 = arith.constant 0 : i32
    %dma_start3A_394 = tpu.memref_slice %arg6[%dma_start3A_392, %dma_start3A_393] : memref<1000000x128xf32, #tpu.memory_space<hbm>> -> memref<1000000x128xf32, #tpu.memory_space<hbm>>
    tpu.enqueue_indirect_dma source(%dma_start3A_394 : memref<1000000x128xf32, #tpu.memory_space<hbm>>) target(%dma_start3A_388 : memref<128x128xf32, #tpu.memory_space<vmem>>) offsets(%dma_start3A_391 : memref<128xi32, #tpu.memory_space<vmem>>) semaphore(%arg12 : memref<!tpu.dma_semaphore, #tpu.memory_space<semaphore_mem>>)
    %dma_wait3A_395 = arith.constant 5 : i32
    %dma_wait3A_396 = arith.constant 5 : i32
    %dma_wait3A_397 = arith.constant 0 : i32
    %dma_wait3A_398 = arith.constant 0 : i32
    %dma_wait3A_399 = tpu.memref_slice %arg9[%dma_wait3A_396, %dma_wait3A_397, %dma_wait3A_398] : memref<7x128x128xf32, #tpu.memory_space<vmem>> -> memref<1x128x128xf32, #tpu.memory_space<vmem>>
    %dma_wait3A_400 = tpu.memref_squeeze %dma_wait3A_399 : memref<1x128x128xf32, #tpu.memory_space<vmem>> -> memref<128x128xf32, #tpu.memory_space<vmem>>
    %dma_wait3A_401 = arith.constant 0 : i32
    %dma_wait3A_402 = tpu.memref_slice %arg8[%dma_wait3A_395, %dma_wait3A_401] : memref<12x128xi32, #tpu.memory_space<vmem>> -> memref<1x128xi32, #tpu.memory_space<vmem>>
    %dma_wait3A_403 = tpu.memref_squeeze %dma_wait3A_402 : memref<1x128xi32, #tpu.memory_space<vmem>> -> memref<128xi32, #tpu.memory_space<vmem>>
    %dma_wait3A_404 = arith.constant 0 : i32
    %dma_wait3A_405 = arith.constant 0 : i32
    %dma_wait3A_406 = tpu.memref_slice %arg6[%dma_wait3A_404, %dma_wait3A_405] : memref<1000000x128xf32, #tpu.memory_space<hbm>> -> memref<1000000x128xf32, #tpu.memory_space<hbm>>
    tpu.wait_indirect_dma semaphore(%arg15 : memref<!tpu.dma_semaphore, #tpu.memory_space<semaphore_mem>>) src(%dma_wait3A_406 : memref<1000000x128xf32, #tpu.memory_space<hbm>>) dst(%dma_wait3A_400 : memref<128x128xf32, #tpu.memory_space<vmem>>)
    %dma_start3A_407 = arith.constant 5 : i32
    %dma_start3A_408 = arith.constant 1 : i32
    %dma_start3A_409 = arith.constant 0 : i32
    %dma_start3A_410 = arith.constant 0 : i32
    %dma_start3A_411 = tpu.memref_slice %arg9[%dma_start3A_407, %dma_start3A_409, %dma_start3A_410] : memref<7x128x128xf32, #tpu.memory_space<vmem>> -> memref<1x128x128xf32, #tpu.memory_space<vmem>>
    %dma_start3A_412 = tpu.memref_squeeze %dma_start3A_411 : memref<1x128x128xf32, #tpu.memory_space<vmem>> -> memref<128x128xf32, #tpu.memory_space<vmem>>
    %dma_start3A_413 = arith.constant 0 : i32
    %dma_start3A_414 = tpu.memref_slice %arg7[%dma_start3A_408, %add3A_45, %dma_start3A_413] : memref<3x16384x128xf32, #tpu.memory_space<hbm>> -> memref<1x128x128xf32, #tpu.memory_space<hbm>>
    %dma_start3A_415 = tpu.memref_squeeze %dma_start3A_414 : memref<1x128x128xf32, #tpu.memory_space<hbm>> -> memref<128x128xf32, #tpu.memory_space<hbm>>
    %dma_start3A_416 = arith.constant 0 : i32
    %dma_start3A_417 = tpu.memref_slice %arg7[%dma_start3A_408, %add3A_45, %dma_start3A_416] : memref<3x16384x128xf32, #tpu.memory_space<hbm>> -> memref<1x128x128xf32, #tpu.memory_space<hbm>>
    %dma_start3A_418 = tpu.memref_squeeze %dma_start3A_417 : memref<1x128x128xf32, #tpu.memory_space<hbm>> -> memref<128x128xf32, #tpu.memory_space<hbm>>
    %dma_start3A_419 = arith.constant 0 : i32
    %dma_start3A_420 = arith.constant 0 : i32
    %dma_start3A_421 = tpu.memref_slice %arg9[%dma_start3A_407, %dma_start3A_419, %dma_start3A_420] : memref<7x128x128xf32, #tpu.memory_space<vmem>> -> memref<1x128x128xf32, #tpu.memory_space<vmem>>
    %dma_start3A_422 = tpu.memref_squeeze %dma_start3A_421 : memref<1x128x128xf32, #tpu.memory_space<vmem>> -> memref<128x128xf32, #tpu.memory_space<vmem>>
    tpu.enqueue_dma source(%dma_start3A_422 : memref<128x128xf32, #tpu.memory_space<vmem>>) target(%dma_start3A_418 : memref<128x128xf32, #tpu.memory_space<hbm>>) target_semaphore(%arg22 : memref<!tpu.dma_semaphore, #tpu.memory_space<semaphore_mem>>)
    %dma_wait3A_423 = arith.constant 3 : i32
    %dma_wait3A_424 = arith.constant 0 : i32
    %dma_wait3A_425 = arith.constant 0 : i32
    %dma_wait3A_426 = arith.constant 0 : i32
    %dma_wait3A_427 = tpu.memref_slice %arg9[%dma_wait3A_423, %dma_wait3A_425, %dma_wait3A_426] : memref<7x128x128xf32, #tpu.memory_space<vmem>> -> memref<1x128x128xf32, #tpu.memory_space<vmem>>
    %dma_wait3A_428 = tpu.memref_squeeze %dma_wait3A_427 : memref<1x128x128xf32, #tpu.memory_space<vmem>> -> memref<128x128xf32, #tpu.memory_space<vmem>>
    %dma_wait3A_429 = arith.constant 0 : i32
    %dma_wait3A_430 = tpu.memref_slice %arg7[%dma_wait3A_424, %add3A_41, %dma_wait3A_429] : memref<3x16384x128xf32, #tpu.memory_space<hbm>> -> memref<1x128x128xf32, #tpu.memory_space<hbm>>
    %dma_wait3A_431 = tpu.memref_squeeze %dma_wait3A_430 : memref<1x128x128xf32, #tpu.memory_space<hbm>> -> memref<128x128xf32, #tpu.memory_space<hbm>>
    %dma_wait3A_432 = arith.constant 0 : i32
    %dma_wait3A_433 = tpu.memref_slice %arg7[%dma_wait3A_424, %add3A_41, %dma_wait3A_432] : memref<3x16384x128xf32, #tpu.memory_space<hbm>> -> memref<1x128x128xf32, #tpu.memory_space<hbm>>
    %dma_wait3A_434 = tpu.memref_squeeze %dma_wait3A_433 : memref<1x128x128xf32, #tpu.memory_space<hbm>> -> memref<128x128xf32, #tpu.memory_space<hbm>>
    %dma_wait3A_435 = arith.constant 0 : i32
    %dma_wait3A_436 = arith.constant 0 : i32
    %dma_wait3A_437 = tpu.memref_slice %arg9[%dma_wait3A_423, %dma_wait3A_435, %dma_wait3A_436] : memref<7x128x128xf32, #tpu.memory_space<vmem>> -> memref<1x128x128xf32, #tpu.memory_space<vmem>>
    %dma_wait3A_438 = tpu.memref_squeeze %dma_wait3A_437 : memref<1x128x128xf32, #tpu.memory_space<vmem>> -> memref<128x128xf32, #tpu.memory_space<vmem>>
    tpu.wait_dma2 semaphore(%arg20 : memref<!tpu.dma_semaphore, #tpu.memory_space<semaphore_mem>>) src(%dma_wait3A_438 : memref<128x128xf32, #tpu.memory_space<vmem>>) dst(%dma_wait3A_434 : memref<128x128xf32, #tpu.memory_space<hbm>>)
    %dma_start3A_439 = arith.constant 10 : i32
    %dma_start3A_440 = arith.constant 3 : i32
    %dma_start3A_441 = arith.constant 0 : i32
    %dma_start3A_442 = arith.constant 0 : i32
    %dma_start3A_443 = tpu.memref_slice %arg9[%dma_start3A_440, %dma_start3A_441, %dma_start3A_442] : memref<7x128x128xf32, #tpu.memory_space<vmem>> -> memref<1x128x128xf32, #tpu.memory_space<vmem>>
    %dma_start3A_444 = tpu.memref_squeeze %dma_start3A_443 : memref<1x128x128xf32, #tpu.memory_space<vmem>> -> memref<128x128xf32, #tpu.memory_space<vmem>>
    %dma_start3A_445 = arith.constant 0 : i32
    %dma_start3A_446 = tpu.memref_slice %arg8[%dma_start3A_439, %dma_start3A_445] : memref<12x128xi32, #tpu.memory_space<vmem>> -> memref<1x128xi32, #tpu.memory_space<vmem>>
    %dma_start3A_447 = tpu.memref_squeeze %dma_start3A_446 : memref<1x128xi32, #tpu.memory_space<vmem>> -> memref<128xi32, #tpu.memory_space<vmem>>
    %dma_start3A_448 = arith.constant 0 : i32
    %dma_start3A_449 = arith.constant 0 : i32
    %dma_start3A_450 = tpu.memref_slice %arg6[%dma_start3A_448, %dma_start3A_449] : memref<1000000x128xf32, #tpu.memory_space<hbm>> -> memref<1000000x128xf32, #tpu.memory_space<hbm>>
    tpu.enqueue_indirect_dma source(%dma_start3A_450 : memref<1000000x128xf32, #tpu.memory_space<hbm>>) target(%dma_start3A_444 : memref<128x128xf32, #tpu.memory_space<vmem>>) offsets(%dma_start3A_447 : memref<128xi32, #tpu.memory_space<vmem>>) semaphore(%arg13 : memref<!tpu.dma_semaphore, #tpu.memory_space<semaphore_mem>>)
    %dma_wait3A_451 = arith.constant 6 : i32
    %dma_wait3A_452 = arith.constant 6 : i32
    %dma_wait3A_453 = arith.constant 0 : i32
    %dma_wait3A_454 = arith.constant 0 : i32
    %dma_wait3A_455 = tpu.memref_slice %arg9[%dma_wait3A_452, %dma_wait3A_453, %dma_wait3A_454] : memref<7x128x128xf32, #tpu.memory_space<vmem>> -> memref<1x128x128xf32, #tpu.memory_space<vmem>>
    %dma_wait3A_456 = tpu.memref_squeeze %dma_wait3A_455 : memref<1x128x128xf32, #tpu.memory_space<vmem>> -> memref<128x128xf32, #tpu.memory_space<vmem>>
    %dma_wait3A_457 = arith.constant 0 : i32
    %dma_wait3A_458 = tpu.memref_slice %arg8[%dma_wait3A_451, %dma_wait3A_457] : memref<12x128xi32, #tpu.memory_space<vmem>> -> memref<1x128xi32, #tpu.memory_space<vmem>>
    %dma_wait3A_459 = tpu.memref_squeeze %dma_wait3A_458 : memref<1x128xi32, #tpu.memory_space<vmem>> -> memref<128xi32, #tpu.memory_space<vmem>>
    %dma_wait3A_460 = arith.constant 0 : i32
    %dma_wait3A_461 = arith.constant 0 : i32
    %dma_wait3A_462 = tpu.memref_slice %arg6[%dma_wait3A_460, %dma_wait3A_461] : memref<1000000x128xf32, #tpu.memory_space<hbm>> -> memref<1000000x128xf32, #tpu.memory_space<hbm>>
    tpu.wait_indirect_dma semaphore(%arg16 : memref<!tpu.dma_semaphore, #tpu.memory_space<semaphore_mem>>) src(%dma_wait3A_462 : memref<1000000x128xf32, #tpu.memory_space<hbm>>) dst(%dma_wait3A_456 : memref<128x128xf32, #tpu.memory_space<vmem>>)
    %dma_start3A_463 = arith.constant 6 : i32
    %dma_start3A_464 = arith.constant 1 : i32
    %dma_start3A_465 = arith.constant 0 : i32
    %dma_start3A_466 = arith.constant 0 : i32
    %dma_start3A_467 = tpu.memref_slice %arg9[%dma_start3A_463, %dma_start3A_465, %dma_start3A_466] : memref<7x128x128xf32, #tpu.memory_space<vmem>> -> memref<1x128x128xf32, #tpu.memory_space<vmem>>
    %dma_start3A_468 = tpu.memref_squeeze %dma_start3A_467 : memref<1x128x128xf32, #tpu.memory_space<vmem>> -> memref<128x128xf32, #tpu.memory_space<vmem>>
    %dma_start3A_469 = arith.constant 0 : i32
    %dma_start3A_470 = tpu.memref_slice %arg7[%dma_start3A_464, %add3A_47, %dma_start3A_469] : memref<3x16384x128xf32, #tpu.memory_space<hbm>> -> memref<1x128x128xf32, #tpu.memory_space<hbm>>
    %dma_start3A_471 = tpu.memref_squeeze %dma_start3A_470 : memref<1x128x128xf32, #tpu.memory_space<hbm>> -> memref<128x128xf32, #tpu.memory_space<hbm>>
    %dma_start3A_472 = arith.constant 0 : i32
    %dma_start3A_473 = tpu.memref_slice %arg7[%dma_start3A_464, %add3A_47, %dma_start3A_472] : memref<3x16384x128xf32, #tpu.memory_space<hbm>> -> memref<1x128x128xf32, #tpu.memory_space<hbm>>
    %dma_start3A_474 = tpu.memref_squeeze %dma_start3A_473 : memref<1x128x128xf32, #tpu.memory_space<hbm>> -> memref<128x128xf32, #tpu.memory_space<hbm>>
    %dma_start3A_475 = arith.constant 0 : i32
    %dma_start3A_476 = arith.constant 0 : i32
    %dma_start3A_477 = tpu.memref_slice %arg9[%dma_start3A_463, %dma_start3A_475, %dma_start3A_476] : memref<7x128x128xf32, #tpu.memory_space<vmem>> -> memref<1x128x128xf32, #tpu.memory_space<vmem>>
    %dma_start3A_478 = tpu.memref_squeeze %dma_start3A_477 : memref<1x128x128xf32, #tpu.memory_space<vmem>> -> memref<128x128xf32, #tpu.memory_space<vmem>>
    tpu.enqueue_dma source(%dma_start3A_478 : memref<128x128xf32, #tpu.memory_space<vmem>>) target(%dma_start3A_474 : memref<128x128xf32, #tpu.memory_space<hbm>>) target_semaphore(%arg23 : memref<!tpu.dma_semaphore, #tpu.memory_space<semaphore_mem>>)
    %dma_wait3A_479 = arith.constant 4 : i32
    %dma_wait3A_480 = arith.constant 1 : i32
    %dma_wait3A_481 = arith.constant 0 : i32
    %dma_wait3A_482 = arith.constant 0 : i32
    %dma_wait3A_483 = tpu.memref_slice %arg9[%dma_wait3A_479, %dma_wait3A_481, %dma_wait3A_482] : memref<7x128x128xf32, #tpu.memory_space<vmem>> -> memref<1x128x128xf32, #tpu.memory_space<vmem>>
    %dma_wait3A_484 = tpu.memref_squeeze %dma_wait3A_483 : memref<1x128x128xf32, #tpu.memory_space<vmem>> -> memref<128x128xf32, #tpu.memory_space<vmem>>
    %dma_wait3A_485 = arith.constant 0 : i32
    %dma_wait3A_486 = tpu.memref_slice %arg7[%dma_wait3A_480, %add3A_43, %dma_wait3A_485] : memref<3x16384x128xf32, #tpu.memory_space<hbm>> -> memref<1x128x128xf32, #tpu.memory_space<hbm>>
    %dma_wait3A_487 = tpu.memref_squeeze %dma_wait3A_486 : memref<1x128x128xf32, #tpu.memory_space<hbm>> -> memref<128x128xf32, #tpu.memory_space<hbm>>
    %dma_wait3A_488 = arith.constant 0 : i32
    %dma_wait3A_489 = tpu.memref_slice %arg7[%dma_wait3A_480, %add3A_43, %dma_wait3A_488] : memref<3x16384x128xf32, #tpu.memory_space<hbm>> -> memref<1x128x128xf32, #tpu.memory_space<hbm>>
    %dma_wait3A_490 = tpu.memref_squeeze %dma_wait3A_489 : memref<1x128x128xf32, #tpu.memory_space<hbm>> -> memref<128x128xf32, #tpu.memory_space<hbm>>
    %dma_wait3A_491 = arith.constant 0 : i32
    %dma_wait3A_492 = arith.constant 0 : i32
    %dma_wait3A_493 = tpu.memref_slice %arg9[%dma_wait3A_479, %dma_wait3A_491, %dma_wait3A_492] : memref<7x128x128xf32, #tpu.memory_space<vmem>> -> memref<1x128x128xf32, #tpu.memory_space<vmem>>
    %dma_wait3A_494 = tpu.memref_squeeze %dma_wait3A_493 : memref<1x128x128xf32, #tpu.memory_space<vmem>> -> memref<128x128xf32, #tpu.memory_space<vmem>>
    tpu.wait_dma2 semaphore(%arg21 : memref<!tpu.dma_semaphore, #tpu.memory_space<semaphore_mem>>) src(%dma_wait3A_494 : memref<128x128xf32, #tpu.memory_space<vmem>>) dst(%dma_wait3A_490 : memref<128x128xf32, #tpu.memory_space<hbm>>)
    %dma_start3A_495 = arith.constant 11 : i32
    %dma_start3A_496 = arith.constant 4 : i32
    %dma_start3A_497 = arith.constant 0 : i32
    %dma_start3A_498 = arith.constant 0 : i32
    %dma_start3A_499 = tpu.memref_slice %arg9[%dma_start3A_496, %dma_start3A_497, %dma_start3A_498] : memref<7x128x128xf32, #tpu.memory_space<vmem>> -> memref<1x128x128xf32, #tpu.memory_space<vmem>>
    %dma_start3A_500 = tpu.memref_squeeze %dma_start3A_499 : memref<1x128x128xf32, #tpu.memory_space<vmem>> -> memref<128x128xf32, #tpu.memory_space<vmem>>
    %dma_start3A_501 = arith.constant 0 : i32
    %dma_start3A_502 = tpu.memref_slice %arg8[%dma_start3A_495, %dma_start3A_501] : memref<12x128xi32, #tpu.memory_space<vmem>> -> memref<1x128xi32, #tpu.memory_space<vmem>>
    %dma_start3A_503 = tpu.memref_squeeze %dma_start3A_502 : memref<1x128xi32, #tpu.memory_space<vmem>> -> memref<128xi32, #tpu.memory_space<vmem>>
    %dma_start3A_504 = arith.constant 0 : i32
    %dma_start3A_505 = arith.constant 0 : i32
    %dma_start3A_506 = tpu.memref_slice %arg6[%dma_start3A_504, %dma_start3A_505] : memref<1000000x128xf32, #tpu.memory_space<hbm>> -> memref<1000000x128xf32, #tpu.memory_space<hbm>>
    tpu.enqueue_indirect_dma source(%dma_start3A_506 : memref<1000000x128xf32, #tpu.memory_space<hbm>>) target(%dma_start3A_500 : memref<128x128xf32, #tpu.memory_space<vmem>>) offsets(%dma_start3A_503 : memref<128xi32, #tpu.memory_space<vmem>>) semaphore(%arg14 : memref<!tpu.dma_semaphore, #tpu.memory_space<semaphore_mem>>)
    %dma_wait3A_507 = arith.constant 7 : i32
    %dma_wait3A_508 = arith.constant 0 : i32
    %dma_wait3A_509 = arith.constant 0 : i32
    %dma_wait3A_510 = arith.constant 0 : i32
    %dma_wait3A_511 = tpu.memref_slice %arg9[%dma_wait3A_508, %dma_wait3A_509, %dma_wait3A_510] : memref<7x128x128xf32, #tpu.memory_space<vmem>> -> memref<1x128x128xf32, #tpu.memory_space<vmem>>
    %dma_wait3A_512 = tpu.memref_squeeze %dma_wait3A_511 : memref<1x128x128xf32, #tpu.memory_space<vmem>> -> memref<128x128xf32, #tpu.memory_space<vmem>>
    %dma_wait3A_513 = arith.constant 0 : i32
    %dma_wait3A_514 = tpu.memref_slice %arg8[%dma_wait3A_507, %dma_wait3A_513] : memref<12x128xi32, #tpu.memory_space<vmem>> -> memref<1x128xi32, #tpu.memory_space<vmem>>
    %dma_wait3A_515 = tpu.memref_squeeze %dma_wait3A_514 : memref<1x128xi32, #tpu.memory_space<vmem>> -> memref<128xi32, #tpu.memory_space<vmem>>
    %dma_wait3A_516 = arith.constant 0 : i32
    %dma_wait3A_517 = arith.constant 0 : i32
    %dma_wait3A_518 = tpu.memref_slice %arg6[%dma_wait3A_516, %dma_wait3A_517] : memref<1000000x128xf32, #tpu.memory_space<hbm>> -> memref<1000000x128xf32, #tpu.memory_space<hbm>>
    tpu.wait_indirect_dma semaphore(%arg10 : memref<!tpu.dma_semaphore, #tpu.memory_space<semaphore_mem>>) src(%dma_wait3A_518 : memref<1000000x128xf32, #tpu.memory_space<hbm>>) dst(%dma_wait3A_512 : memref<128x128xf32, #tpu.memory_space<vmem>>)
    %dma_start3A_519 = arith.constant 0 : i32
    %dma_start3A_520 = arith.constant 1 : i32
    %dma_start3A_521 = arith.constant 0 : i32
    %dma_start3A_522 = arith.constant 0 : i32
    %dma_start3A_523 = tpu.memref_slice %arg9[%dma_start3A_519, %dma_start3A_521, %dma_start3A_522] : memref<7x128x128xf32, #tpu.memory_space<vmem>> -> memref<1x128x128xf32, #tpu.memory_space<vmem>>
    %dma_start3A_524 = tpu.memref_squeeze %dma_start3A_523 : memref<1x128x128xf32, #tpu.memory_space<vmem>> -> memref<128x128xf32, #tpu.memory_space<vmem>>
    %dma_start3A_525 = arith.constant 0 : i32
    %dma_start3A_526 = tpu.memref_slice %arg7[%dma_start3A_520, %add3A_49, %dma_start3A_525] : memref<3x16384x128xf32, #tpu.memory_space<hbm>> -> memref<1x128x128xf32, #tpu.memory_space<hbm>>
    %dma_start3A_527 = tpu.memref_squeeze %dma_start3A_526 : memref<1x128x128xf32, #tpu.memory_space<hbm>> -> memref<128x128xf32, #tpu.memory_space<hbm>>
    %dma_start3A_528 = arith.constant 0 : i32
    %dma_start3A_529 = tpu.memref_slice %arg7[%dma_start3A_520, %add3A_49, %dma_start3A_528] : memref<3x16384x128xf32, #tpu.memory_space<hbm>> -> memref<1x128x128xf32, #tpu.memory_space<hbm>>
    %dma_start3A_530 = tpu.memref_squeeze %dma_start3A_529 : memref<1x128x128xf32, #tpu.memory_space<hbm>> -> memref<128x128xf32, #tpu.memory_space<hbm>>
    %dma_start3A_531 = arith.constant 0 : i32
    %dma_start3A_532 = arith.constant 0 : i32
    %dma_start3A_533 = tpu.memref_slice %arg9[%dma_start3A_519, %dma_start3A_531, %dma_start3A_532] : memref<7x128x128xf32, #tpu.memory_space<vmem>> -> memref<1x128x128xf32, #tpu.memory_space<vmem>>
    %dma_start3A_534 = tpu.memref_squeeze %dma_start3A_533 : memref<1x128x128xf32, #tpu.memory_space<vmem>> -> memref<128x128xf32, #tpu.memory_space<vmem>>
    tpu.enqueue_dma source(%dma_start3A_534 : memref<128x128xf32, #tpu.memory_space<vmem>>) target(%dma_start3A_530 : memref<128x128xf32, #tpu.memory_space<hbm>>) target_semaphore(%arg17 : memref<!tpu.dma_semaphore, #tpu.memory_space<semaphore_mem>>)
    %dma_wait3A_535 = arith.constant 8 : i32
    %dma_wait3A_536 = arith.constant 1 : i32
    %dma_wait3A_537 = arith.constant 0 : i32
    %dma_wait3A_538 = arith.constant 0 : i32
    %dma_wait3A_539 = tpu.memref_slice %arg9[%dma_wait3A_536, %dma_wait3A_537, %dma_wait3A_538] : memref<7x128x128xf32, #tpu.memory_space<vmem>> -> memref<1x128x128xf32, #tpu.memory_space<vmem>>
    %dma_wait3A_540 = tpu.memref_squeeze %dma_wait3A_539 : memref<1x128x128xf32, #tpu.memory_space<vmem>> -> memref<128x128xf32, #tpu.memory_space<vmem>>
    %dma_wait3A_541 = arith.constant 0 : i32
    %dma_wait3A_542 = tpu.memref_slice %arg8[%dma_wait3A_535, %dma_wait3A_541] : memref<12x128xi32, #tpu.memory_space<vmem>> -> memref<1x128xi32, #tpu.memory_space<vmem>>
    %dma_wait3A_543 = tpu.memref_squeeze %dma_wait3A_542 : memref<1x128xi32, #tpu.memory_space<vmem>> -> memref<128xi32, #tpu.memory_space<vmem>>
    %dma_wait3A_544 = arith.constant 0 : i32
    %dma_wait3A_545 = arith.constant 0 : i32
    %dma_wait3A_546 = tpu.memref_slice %arg6[%dma_wait3A_544, %dma_wait3A_545] : memref<1000000x128xf32, #tpu.memory_space<hbm>> -> memref<1000000x128xf32, #tpu.memory_space<hbm>>
    tpu.wait_indirect_dma semaphore(%arg11 : memref<!tpu.dma_semaphore, #tpu.memory_space<semaphore_mem>>) src(%dma_wait3A_546 : memref<1000000x128xf32, #tpu.memory_space<hbm>>) dst(%dma_wait3A_540 : memref<128x128xf32, #tpu.memory_space<vmem>>)
    %dma_start3A_547 = arith.constant 1 : i32
    %dma_start3A_548 = arith.constant 2 : i32
    %dma_start3A_549 = arith.constant 0 : i32
    %dma_start3A_550 = arith.constant 0 : i32
    %dma_start3A_551 = tpu.memref_slice %arg9[%dma_start3A_547, %dma_start3A_549, %dma_start3A_550] : memref<7x128x128xf32, #tpu.memory_space<vmem>> -> memref<1x128x128xf32, #tpu.memory_space<vmem>>
    %dma_start3A_552 = tpu.memref_squeeze %dma_start3A_551 : memref<1x128x128xf32, #tpu.memory_space<vmem>> -> memref<128x128xf32, #tpu.memory_space<vmem>>
    %dma_start3A_553 = arith.constant 0 : i32
    %dma_start3A_554 = tpu.memref_slice %arg7[%dma_start3A_548, %add3A_51, %dma_start3A_553] : memref<3x16384x128xf32, #tpu.memory_space<hbm>> -> memref<1x128x128xf32, #tpu.memory_space<hbm>>
    %dma_start3A_555 = tpu.memref_squeeze %dma_start3A_554 : memref<1x128x128xf32, #tpu.memory_space<hbm>> -> memref<128x128xf32, #tpu.memory_space<hbm>>
    %dma_start3A_556 = arith.constant 0 : i32
    %dma_start3A_557 = tpu.memref_slice %arg7[%dma_start3A_548, %add3A_51, %dma_start3A_556] : memref<3x16384x128xf32, #tpu.memory_space<hbm>> -> memref<1x128x128xf32, #tpu.memory_space<hbm>>
    %dma_start3A_558 = tpu.memref_squeeze %dma_start3A_557 : memref<1x128x128xf32, #tpu.memory_space<hbm>> -> memref<128x128xf32, #tpu.memory_space<hbm>>
    %dma_start3A_559 = arith.constant 0 : i32
    %dma_start3A_560 = arith.constant 0 : i32
    %dma_start3A_561 = tpu.memref_slice %arg9[%dma_start3A_547, %dma_start3A_559, %dma_start3A_560] : memref<7x128x128xf32, #tpu.memory_space<vmem>> -> memref<1x128x128xf32, #tpu.memory_space<vmem>>
    %dma_start3A_562 = tpu.memref_squeeze %dma_start3A_561 : memref<1x128x128xf32, #tpu.memory_space<vmem>> -> memref<128x128xf32, #tpu.memory_space<vmem>>
    tpu.enqueue_dma source(%dma_start3A_562 : memref<128x128xf32, #tpu.memory_space<vmem>>) target(%dma_start3A_558 : memref<128x128xf32, #tpu.memory_space<hbm>>) target_semaphore(%arg18 : memref<!tpu.dma_semaphore, #tpu.memory_space<semaphore_mem>>)
    %dma_wait3A_563 = arith.constant 9 : i32
    %dma_wait3A_564 = arith.constant 2 : i32
    %dma_wait3A_565 = arith.constant 0 : i32
    %dma_wait3A_566 = arith.constant 0 : i32
    %dma_wait3A_567 = tpu.memref_slice %arg9[%dma_wait3A_564, %dma_wait3A_565, %dma_wait3A_566] : memref<7x128x128xf32, #tpu.memory_space<vmem>> -> memref<1x128x128xf32, #tpu.memory_space<vmem>>
    %dma_wait3A_568 = tpu.memref_squeeze %dma_wait3A_567 : memref<1x128x128xf32, #tpu.memory_space<vmem>> -> memref<128x128xf32, #tpu.memory_space<vmem>>
    %dma_wait3A_569 = arith.constant 0 : i32
    %dma_wait3A_570 = tpu.memref_slice %arg8[%dma_wait3A_563, %dma_wait3A_569] : memref<12x128xi32, #tpu.memory_space<vmem>> -> memref<1x128xi32, #tpu.memory_space<vmem>>
    %dma_wait3A_571 = tpu.memref_squeeze %dma_wait3A_570 : memref<1x128xi32, #tpu.memory_space<vmem>> -> memref<128xi32, #tpu.memory_space<vmem>>
    %dma_wait3A_572 = arith.constant 0 : i32
    %dma_wait3A_573 = arith.constant 0 : i32
    %dma_wait3A_574 = tpu.memref_slice %arg6[%dma_wait3A_572, %dma_wait3A_573] : memref<1000000x128xf32, #tpu.memory_space<hbm>> -> memref<1000000x128xf32, #tpu.memory_space<hbm>>
    tpu.wait_indirect_dma semaphore(%arg12 : memref<!tpu.dma_semaphore, #tpu.memory_space<semaphore_mem>>) src(%dma_wait3A_574 : memref<1000000x128xf32, #tpu.memory_space<hbm>>) dst(%dma_wait3A_568 : memref<128x128xf32, #tpu.memory_space<vmem>>)
    %dma_start3A_575 = arith.constant 2 : i32
    %dma_start3A_576 = arith.constant 2 : i32
    %dma_start3A_577 = arith.constant 0 : i32
    %dma_start3A_578 = arith.constant 0 : i32
    %dma_start3A_579 = tpu.memref_slice %arg9[%dma_start3A_575, %dma_start3A_577, %dma_start3A_578] : memref<7x128x128xf32, #tpu.memory_space<vmem>> -> memref<1x128x128xf32, #tpu.memory_space<vmem>>
    %dma_start3A_580 = tpu.memref_squeeze %dma_start3A_579 : memref<1x128x128xf32, #tpu.memory_space<vmem>> -> memref<128x128xf32, #tpu.memory_space<vmem>>
    %dma_start3A_581 = arith.constant 0 : i32
    %dma_start3A_582 = tpu.memref_slice %arg7[%dma_start3A_576, %add3A_53, %dma_start3A_581] : memref<3x16384x128xf32, #tpu.memory_space<hbm>> -> memref<1x128x128xf32, #tpu.memory_space<hbm>>
    %dma_start3A_583 = tpu.memref_squeeze %dma_start3A_582 : memref<1x128x128xf32, #tpu.memory_space<hbm>> -> memref<128x128xf32, #tpu.memory_space<hbm>>
    %dma_start3A_584 = arith.constant 0 : i32
    %dma_start3A_585 = tpu.memref_slice %arg7[%dma_start3A_576, %add3A_53, %dma_start3A_584] : memref<3x16384x128xf32, #tpu.memory_space<hbm>> -> memref<1x128x128xf32, #tpu.memory_space<hbm>>
    %dma_start3A_586 = tpu.memref_squeeze %dma_start3A_585 : memref<1x128x128xf32, #tpu.memory_space<hbm>> -> memref<128x128xf32, #tpu.memory_space<hbm>>
    %dma_start3A_587 = arith.constant 0 : i32
    %dma_start3A_588 = arith.constant 0 : i32
    %dma_start3A_589 = tpu.memref_slice %arg9[%dma_start3A_575, %dma_start3A_587, %dma_start3A_588] : memref<7x128x128xf32, #tpu.memory_space<vmem>> -> memref<1x128x128xf32, #tpu.memory_space<vmem>>
    %dma_start3A_590 = tpu.memref_squeeze %dma_start3A_589 : memref<1x128x128xf32, #tpu.memory_space<vmem>> -> memref<128x128xf32, #tpu.memory_space<vmem>>
    tpu.enqueue_dma source(%dma_start3A_590 : memref<128x128xf32, #tpu.memory_space<vmem>>) target(%dma_start3A_586 : memref<128x128xf32, #tpu.memory_space<hbm>>) target_semaphore(%arg19 : memref<!tpu.dma_semaphore, #tpu.memory_space<semaphore_mem>>)
    %dma_wait3A_591 = arith.constant 10 : i32
    %dma_wait3A_592 = arith.constant 3 : i32
    %dma_wait3A_593 = arith.constant 0 : i32
    %dma_wait3A_594 = arith.constant 0 : i32
    %dma_wait3A_595 = tpu.memref_slice %arg9[%dma_wait3A_592, %dma_wait3A_593, %dma_wait3A_594] : memref<7x128x128xf32, #tpu.memory_space<vmem>> -> memref<1x128x128xf32, #tpu.memory_space<vmem>>
    %dma_wait3A_596 = tpu.memref_squeeze %dma_wait3A_595 : memref<1x128x128xf32, #tpu.memory_space<vmem>> -> memref<128x128xf32, #tpu.memory_space<vmem>>
    %dma_wait3A_597 = arith.constant 0 : i32
    %dma_wait3A_598 = tpu.memref_slice %arg8[%dma_wait3A_591, %dma_wait3A_597] : memref<12x128xi32, #tpu.memory_space<vmem>> -> memref<1x128xi32, #tpu.memory_space<vmem>>
    %dma_wait3A_599 = tpu.memref_squeeze %dma_wait3A_598 : memref<1x128xi32, #tpu.memory_space<vmem>> -> memref<128xi32, #tpu.memory_space<vmem>>
    %dma_wait3A_600 = arith.constant 0 : i32
    %dma_wait3A_601 = arith.constant 0 : i32
    %dma_wait3A_602 = tpu.memref_slice %arg6[%dma_wait3A_600, %dma_wait3A_601] : memref<1000000x128xf32, #tpu.memory_space<hbm>> -> memref<1000000x128xf32, #tpu.memory_space<hbm>>
    tpu.wait_indirect_dma semaphore(%arg13 : memref<!tpu.dma_semaphore, #tpu.memory_space<semaphore_mem>>) src(%dma_wait3A_602 : memref<1000000x128xf32, #tpu.memory_space<hbm>>) dst(%dma_wait3A_596 : memref<128x128xf32, #tpu.memory_space<vmem>>)
    %dma_start3A_603 = arith.constant 3 : i32
    %dma_start3A_604 = arith.constant 2 : i32
    %dma_start3A_605 = arith.constant 0 : i32
    %dma_start3A_606 = arith.constant 0 : i32
    %dma_start3A_607 = tpu.memref_slice %arg9[%dma_start3A_603, %dma_start3A_605, %dma_start3A_606] : memref<7x128x128xf32, #tpu.memory_space<vmem>> -> memref<1x128x128xf32, #tpu.memory_space<vmem>>
    %dma_start3A_608 = tpu.memref_squeeze %dma_start3A_607 : memref<1x128x128xf32, #tpu.memory_space<vmem>> -> memref<128x128xf32, #tpu.memory_space<vmem>>
    %dma_start3A_609 = arith.constant 0 : i32
    %dma_start3A_610 = tpu.memref_slice %arg7[%dma_start3A_604, %add3A_55, %dma_start3A_609] : memref<3x16384x128xf32, #tpu.memory_space<hbm>> -> memref<1x128x128xf32, #tpu.memory_space<hbm>>
    %dma_start3A_611 = tpu.memref_squeeze %dma_start3A_610 : memref<1x128x128xf32, #tpu.memory_space<hbm>> -> memref<128x128xf32, #tpu.memory_space<hbm>>
    %dma_start3A_612 = arith.constant 0 : i32
    %dma_start3A_613 = tpu.memref_slice %arg7[%dma_start3A_604, %add3A_55, %dma_start3A_612] : memref<3x16384x128xf32, #tpu.memory_space<hbm>> -> memref<1x128x128xf32, #tpu.memory_space<hbm>>
    %dma_start3A_614 = tpu.memref_squeeze %dma_start3A_613 : memref<1x128x128xf32, #tpu.memory_space<hbm>> -> memref<128x128xf32, #tpu.memory_space<hbm>>
    %dma_start3A_615 = arith.constant 0 : i32
    %dma_start3A_616 = arith.constant 0 : i32
    %dma_start3A_617 = tpu.memref_slice %arg9[%dma_start3A_603, %dma_start3A_615, %dma_start3A_616] : memref<7x128x128xf32, #tpu.memory_space<vmem>> -> memref<1x128x128xf32, #tpu.memory_space<vmem>>
    %dma_start3A_618 = tpu.memref_squeeze %dma_start3A_617 : memref<1x128x128xf32, #tpu.memory_space<vmem>> -> memref<128x128xf32, #tpu.memory_space<vmem>>
    tpu.enqueue_dma source(%dma_start3A_618 : memref<128x128xf32, #tpu.memory_space<vmem>>) target(%dma_start3A_614 : memref<128x128xf32, #tpu.memory_space<hbm>>) target_semaphore(%arg20 : memref<!tpu.dma_semaphore, #tpu.memory_space<semaphore_mem>>)
    %dma_wait3A_619 = arith.constant 11 : i32
    %dma_wait3A_620 = arith.constant 4 : i32
    %dma_wait3A_621 = arith.constant 0 : i32
    %dma_wait3A_622 = arith.constant 0 : i32
    %dma_wait3A_623 = tpu.memref_slice %arg9[%dma_wait3A_620, %dma_wait3A_621, %dma_wait3A_622] : memref<7x128x128xf32, #tpu.memory_space<vmem>> -> memref<1x128x128xf32, #tpu.memory_space<vmem>>
    %dma_wait3A_624 = tpu.memref_squeeze %dma_wait3A_623 : memref<1x128x128xf32, #tpu.memory_space<vmem>> -> memref<128x128xf32, #tpu.memory_space<vmem>>
    %dma_wait3A_625 = arith.constant 0 : i32
    %dma_wait3A_626 = tpu.memref_slice %arg8[%dma_wait3A_619, %dma_wait3A_625] : memref<12x128xi32, #tpu.memory_space<vmem>> -> memref<1x128xi32, #tpu.memory_space<vmem>>
    %dma_wait3A_627 = tpu.memref_squeeze %dma_wait3A_626 : memref<1x128xi32, #tpu.memory_space<vmem>> -> memref<128xi32, #tpu.memory_space<vmem>>
    %dma_wait3A_628 = arith.constant 0 : i32
    %dma_wait3A_629 = arith.constant 0 : i32
    %dma_wait3A_630 = tpu.memref_slice %arg6[%dma_wait3A_628, %dma_wait3A_629] : memref<1000000x128xf32, #tpu.memory_space<hbm>> -> memref<1000000x128xf32, #tpu.memory_space<hbm>>
    tpu.wait_indirect_dma semaphore(%arg14 : memref<!tpu.dma_semaphore, #tpu.memory_space<semaphore_mem>>) src(%dma_wait3A_630 : memref<1000000x128xf32, #tpu.memory_space<hbm>>) dst(%dma_wait3A_624 : memref<128x128xf32, #tpu.memory_space<vmem>>)
    %dma_start3A_631 = arith.constant 4 : i32
    %dma_start3A_632 = arith.constant 2 : i32
    %dma_start3A_633 = arith.constant 0 : i32
    %dma_start3A_634 = arith.constant 0 : i32
    %dma_start3A_635 = tpu.memref_slice %arg9[%dma_start3A_631, %dma_start3A_633, %dma_start3A_634] : memref<7x128x128xf32, #tpu.memory_space<vmem>> -> memref<1x128x128xf32, #tpu.memory_space<vmem>>
    %dma_start3A_636 = tpu.memref_squeeze %dma_start3A_635 : memref<1x128x128xf32, #tpu.memory_space<vmem>> -> memref<128x128xf32, #tpu.memory_space<vmem>>
    %dma_start3A_637 = arith.constant 0 : i32
    %dma_start3A_638 = tpu.memref_slice %arg7[%dma_start3A_632, %add3A_57, %dma_start3A_637] : memref<3x16384x128xf32, #tpu.memory_space<hbm>> -> memref<1x128x128xf32, #tpu.memory_space<hbm>>
    %dma_start3A_639 = tpu.memref_squeeze %dma_start3A_638 : memref<1x128x128xf32, #tpu.memory_space<hbm>> -> memref<128x128xf32, #tpu.memory_space<hbm>>
    %dma_start3A_640 = arith.constant 0 : i32
    %dma_start3A_641 = tpu.memref_slice %arg7[%dma_start3A_632, %add3A_57, %dma_start3A_640] : memref<3x16384x128xf32, #tpu.memory_space<hbm>> -> memref<1x128x128xf32, #tpu.memory_space<hbm>>
    %dma_start3A_642 = tpu.memref_squeeze %dma_start3A_641 : memref<1x128x128xf32, #tpu.memory_space<hbm>> -> memref<128x128xf32, #tpu.memory_space<hbm>>
    %dma_start3A_643 = arith.constant 0 : i32
    %dma_start3A_644 = arith.constant 0 : i32
    %dma_start3A_645 = tpu.memref_slice %arg9[%dma_start3A_631, %dma_start3A_643, %dma_start3A_644] : memref<7x128x128xf32, #tpu.memory_space<vmem>> -> memref<1x128x128xf32, #tpu.memory_space<vmem>>
    %dma_start3A_646 = tpu.memref_squeeze %dma_start3A_645 : memref<1x128x128xf32, #tpu.memory_space<vmem>> -> memref<128x128xf32, #tpu.memory_space<vmem>>
    tpu.enqueue_dma source(%dma_start3A_646 : memref<128x128xf32, #tpu.memory_space<vmem>>) target(%dma_start3A_642 : memref<128x128xf32, #tpu.memory_space<hbm>>) target_semaphore(%arg21 : memref<!tpu.dma_semaphore, #tpu.memory_space<semaphore_mem>>)
    %dma_wait3A_647 = arith.constant 0 : i32
    %dma_wait3A_648 = arith.constant 1 : i32
    %dma_wait3A_649 = arith.constant 0 : i32
    %dma_wait3A_650 = arith.constant 0 : i32
    %dma_wait3A_651 = tpu.memref_slice %arg9[%dma_wait3A_647, %dma_wait3A_649, %dma_wait3A_650] : memref<7x128x128xf32, #tpu.memory_space<vmem>> -> memref<1x128x128xf32, #tpu.memory_space<vmem>>
    %dma_wait3A_652 = tpu.memref_squeeze %dma_wait3A_651 : memref<1x128x128xf32, #tpu.memory_space<vmem>> -> memref<128x128xf32, #tpu.memory_space<vmem>>
    %dma_wait3A_653 = arith.constant 0 : i32
    %dma_wait3A_654 = tpu.memref_slice %arg7[%dma_wait3A_648, %add3A_49, %dma_wait3A_653] : memref<3x16384x128xf32, #tpu.memory_space<hbm>> -> memref<1x128x128xf32, #tpu.memory_space<hbm>>
    %dma_wait3A_655 = tpu.memref_squeeze %dma_wait3A_654 : memref<1x128x128xf32, #tpu.memory_space<hbm>> -> memref<128x128xf32, #tpu.memory_space<hbm>>
    %dma_wait3A_656 = arith.constant 0 : i32
    %dma_wait3A_657 = tpu.memref_slice %arg7[%dma_wait3A_648, %add3A_49, %dma_wait3A_656] : memref<3x16384x128xf32, #tpu.memory_space<hbm>> -> memref<1x128x128xf32, #tpu.memory_space<hbm>>
    %dma_wait3A_658 = tpu.memref_squeeze %dma_wait3A_657 : memref<1x128x128xf32, #tpu.memory_space<hbm>> -> memref<128x128xf32, #tpu.memory_space<hbm>>
    %dma_wait3A_659 = arith.constant 0 : i32
    %dma_wait3A_660 = arith.constant 0 : i32
    %dma_wait3A_661 = tpu.memref_slice %arg9[%dma_wait3A_647, %dma_wait3A_659, %dma_wait3A_660] : memref<7x128x128xf32, #tpu.memory_space<vmem>> -> memref<1x128x128xf32, #tpu.memory_space<vmem>>
    %dma_wait3A_662 = tpu.memref_squeeze %dma_wait3A_661 : memref<1x128x128xf32, #tpu.memory_space<vmem>> -> memref<128x128xf32, #tpu.memory_space<vmem>>
    tpu.wait_dma2 semaphore(%arg17 : memref<!tpu.dma_semaphore, #tpu.memory_space<semaphore_mem>>) src(%dma_wait3A_662 : memref<128x128xf32, #tpu.memory_space<vmem>>) dst(%dma_wait3A_658 : memref<128x128xf32, #tpu.memory_space<hbm>>)
    %dma_wait3A_663 = arith.constant 1 : i32
    %dma_wait3A_664 = arith.constant 2 : i32
    %dma_wait3A_665 = arith.constant 0 : i32
    %dma_wait3A_666 = arith.constant 0 : i32
    %dma_wait3A_667 = tpu.memref_slice %arg9[%dma_wait3A_663, %dma_wait3A_665, %dma_wait3A_666] : memref<7x128x128xf32, #tpu.memory_space<vmem>> -> memref<1x128x128xf32, #tpu.memory_space<vmem>>
    %dma_wait3A_668 = tpu.memref_squeeze %dma_wait3A_667 : memref<1x128x128xf32, #tpu.memory_space<vmem>> -> memref<128x128xf32, #tpu.memory_space<vmem>>
    %dma_wait3A_669 = arith.constant 0 : i32
    %dma_wait3A_670 = tpu.memref_slice %arg7[%dma_wait3A_664, %add3A_51, %dma_wait3A_669] : memref<3x16384x128xf32, #tpu.memory_space<hbm>> -> memref<1x128x128xf32, #tpu.memory_space<hbm>>
    %dma_wait3A_671 = tpu.memref_squeeze %dma_wait3A_670 : memref<1x128x128xf32, #tpu.memory_space<hbm>> -> memref<128x128xf32, #tpu.memory_space<hbm>>
    %dma_wait3A_672 = arith.constant 0 : i32
    %dma_wait3A_673 = tpu.memref_slice %arg7[%dma_wait3A_664, %add3A_51, %dma_wait3A_672] : memref<3x16384x128xf32, #tpu.memory_space<hbm>> -> memref<1x128x128xf32, #tpu.memory_space<hbm>>
    %dma_wait3A_674 = tpu.memref_squeeze %dma_wait3A_673 : memref<1x128x128xf32, #tpu.memory_space<hbm>> -> memref<128x128xf32, #tpu.memory_space<hbm>>
    %dma_wait3A_675 = arith.constant 0 : i32
    %dma_wait3A_676 = arith.constant 0 : i32
    %dma_wait3A_677 = tpu.memref_slice %arg9[%dma_wait3A_663, %dma_wait3A_675, %dma_wait3A_676] : memref<7x128x128xf32, #tpu.memory_space<vmem>> -> memref<1x128x128xf32, #tpu.memory_space<vmem>>
    %dma_wait3A_678 = tpu.memref_squeeze %dma_wait3A_677 : memref<1x128x128xf32, #tpu.memory_space<vmem>> -> memref<128x128xf32, #tpu.memory_space<vmem>>
    tpu.wait_dma2 semaphore(%arg18 : memref<!tpu.dma_semaphore, #tpu.memory_space<semaphore_mem>>) src(%dma_wait3A_678 : memref<128x128xf32, #tpu.memory_space<vmem>>) dst(%dma_wait3A_674 : memref<128x128xf32, #tpu.memory_space<hbm>>)
    %dma_wait3A_679 = arith.constant 2 : i32
    %dma_wait3A_680 = arith.constant 2 : i32
    %dma_wait3A_681 = arith.constant 0 : i32
    %dma_wait3A_682 = arith.constant 0 : i32
    %dma_wait3A_683 = tpu.memref_slice %arg9[%dma_wait3A_679, %dma_wait3A_681, %dma_wait3A_682] : memref<7x128x128xf32, #tpu.memory_space<vmem>> -> memref<1x128x128xf32, #tpu.memory_space<vmem>>
    %dma_wait3A_684 = tpu.memref_squeeze %dma_wait3A_683 : memref<1x128x128xf32, #tpu.memory_space<vmem>> -> memref<128x128xf32, #tpu.memory_space<vmem>>
    %dma_wait3A_685 = arith.constant 0 : i32
    %dma_wait3A_686 = tpu.memref_slice %arg7[%dma_wait3A_680, %add3A_53, %dma_wait3A_685] : memref<3x16384x128xf32, #tpu.memory_space<hbm>> -> memref<1x128x128xf32, #tpu.memory_space<hbm>>
    %dma_wait3A_687 = tpu.memref_squeeze %dma_wait3A_686 : memref<1x128x128xf32, #tpu.memory_space<hbm>> -> memref<128x128xf32, #tpu.memory_space<hbm>>
    %dma_wait3A_688 = arith.constant 0 : i32
    %dma_wait3A_689 = tpu.memref_slice %arg7[%dma_wait3A_680, %add3A_53, %dma_wait3A_688] : memref<3x16384x128xf32, #tpu.memory_space<hbm>> -> memref<1x128x128xf32, #tpu.memory_space<hbm>>
    %dma_wait3A_690 = tpu.memref_squeeze %dma_wait3A_689 : memref<1x128x128xf32, #tpu.memory_space<hbm>> -> memref<128x128xf32, #tpu.memory_space<hbm>>
    %dma_wait3A_691 = arith.constant 0 : i32
    %dma_wait3A_692 = arith.constant 0 : i32
    %dma_wait3A_693 = tpu.memref_slice %arg9[%dma_wait3A_679, %dma_wait3A_691, %dma_wait3A_692] : memref<7x128x128xf32, #tpu.memory_space<vmem>> -> memref<1x128x128xf32, #tpu.memory_space<vmem>>
    %dma_wait3A_694 = tpu.memref_squeeze %dma_wait3A_693 : memref<1x128x128xf32, #tpu.memory_space<vmem>> -> memref<128x128xf32, #tpu.memory_space<vmem>>
    tpu.wait_dma2 semaphore(%arg19 : memref<!tpu.dma_semaphore, #tpu.memory_space<semaphore_mem>>) src(%dma_wait3A_694 : memref<128x128xf32, #tpu.memory_space<vmem>>) dst(%dma_wait3A_690 : memref<128x128xf32, #tpu.memory_space<hbm>>)
    %dma_wait3A_695 = arith.constant 3 : i32
    %dma_wait3A_696 = arith.constant 2 : i32
    %dma_wait3A_697 = arith.constant 0 : i32
    %dma_wait3A_698 = arith.constant 0 : i32
    %dma_wait3A_699 = tpu.memref_slice %arg9[%dma_wait3A_695, %dma_wait3A_697, %dma_wait3A_698] : memref<7x128x128xf32, #tpu.memory_space<vmem>> -> memref<1x128x128xf32, #tpu.memory_space<vmem>>
    %dma_wait3A_700 = tpu.memref_squeeze %dma_wait3A_699 : memref<1x128x128xf32, #tpu.memory_space<vmem>> -> memref<128x128xf32, #tpu.memory_space<vmem>>
    %dma_wait3A_701 = arith.constant 0 : i32
    %dma_wait3A_702 = tpu.memref_slice %arg7[%dma_wait3A_696, %add3A_55, %dma_wait3A_701] : memref<3x16384x128xf32, #tpu.memory_space<hbm>> -> memref<1x128x128xf32, #tpu.memory_space<hbm>>
    %dma_wait3A_703 = tpu.memref_squeeze %dma_wait3A_702 : memref<1x128x128xf32, #tpu.memory_space<hbm>> -> memref<128x128xf32, #tpu.memory_space<hbm>>
    %dma_wait3A_704 = arith.constant 0 : i32
    %dma_wait3A_705 = tpu.memref_slice %arg7[%dma_wait3A_696, %add3A_55, %dma_wait3A_704] : memref<3x16384x128xf32, #tpu.memory_space<hbm>> -> memref<1x128x128xf32, #tpu.memory_space<hbm>>
    %dma_wait3A_706 = tpu.memref_squeeze %dma_wait3A_705 : memref<1x128x128xf32, #tpu.memory_space<hbm>> -> memref<128x128xf32, #tpu.memory_space<hbm>>
    %dma_wait3A_707 = arith.constant 0 : i32
    %dma_wait3A_708 = arith.constant 0 : i32
    %dma_wait3A_709 = tpu.memref_slice %arg9[%dma_wait3A_695, %dma_wait3A_707, %dma_wait3A_708] : memref<7x128x128xf32, #tpu.memory_space<vmem>> -> memref<1x128x128xf32, #tpu.memory_space<vmem>>
    %dma_wait3A_710 = tpu.memref_squeeze %dma_wait3A_709 : memref<1x128x128xf32, #tpu.memory_space<vmem>> -> memref<128x128xf32, #tpu.memory_space<vmem>>
    tpu.wait_dma2 semaphore(%arg20 : memref<!tpu.dma_semaphore, #tpu.memory_space<semaphore_mem>>) src(%dma_wait3A_710 : memref<128x128xf32, #tpu.memory_space<vmem>>) dst(%dma_wait3A_706 : memref<128x128xf32, #tpu.memory_space<hbm>>)
    %dma_wait3A_711 = arith.constant 4 : i32
    %dma_wait3A_712 = arith.constant 2 : i32
    %dma_wait3A_713 = arith.constant 0 : i32
    %dma_wait3A_714 = arith.constant 0 : i32
    %dma_wait3A_715 = tpu.memref_slice %arg9[%dma_wait3A_711, %dma_wait3A_713, %dma_wait3A_714] : memref<7x128x128xf32, #tpu.memory_space<vmem>> -> memref<1x128x128xf32, #tpu.memory_space<vmem>>
    %dma_wait3A_716 = tpu.memref_squeeze %dma_wait3A_715 : memref<1x128x128xf32, #tpu.memory_space<vmem>> -> memref<128x128xf32, #tpu.memory_space<vmem>>
    %dma_wait3A_717 = arith.constant 0 : i32
    %dma_wait3A_718 = tpu.memref_slice %arg7[%dma_wait3A_712, %add3A_57, %dma_wait3A_717] : memref<3x16384x128xf32, #tpu.memory_space<hbm>> -> memref<1x128x128xf32, #tpu.memory_space<hbm>>
    %dma_wait3A_719 = tpu.memref_squeeze %dma_wait3A_718 : memref<1x128x128xf32, #tpu.memory_space<hbm>> -> memref<128x128xf32, #tpu.memory_space<hbm>>
    %dma_wait3A_720 = arith.constant 0 : i32
    %dma_wait3A_721 = tpu.memref_slice %arg7[%dma_wait3A_712, %add3A_57, %dma_wait3A_720] : memref<3x16384x128xf32, #tpu.memory_space<hbm>> -> memref<1x128x128xf32, #tpu.memory_space<hbm>>
    %dma_wait3A_722 = tpu.memref_squeeze %dma_wait3A_721 : memref<1x128x128xf32, #tpu.memory_space<hbm>> -> memref<128x128xf32, #tpu.memory_space<hbm>>
    %dma_wait3A_723 = arith.constant 0 : i32
    %dma_wait3A_724 = arith.constant 0 : i32
    %dma_wait3A_725 = tpu.memref_slice %arg9[%dma_wait3A_711, %dma_wait3A_723, %dma_wait3A_724] : memref<7x128x128xf32, #tpu.memory_space<vmem>> -> memref<1x128x128xf32, #tpu.memory_space<vmem>>
    %dma_wait3A_726 = tpu.memref_squeeze %dma_wait3A_725 : memref<1x128x128xf32, #tpu.memory_space<vmem>> -> memref<128x128xf32, #tpu.memory_space<vmem>>
    tpu.wait_dma2 semaphore(%arg21 : memref<!tpu.dma_semaphore, #tpu.memory_space<semaphore_mem>>) src(%dma_wait3A_726 : memref<128x128xf32, #tpu.memory_space<vmem>>) dst(%dma_wait3A_722 : memref<128x128xf32, #tpu.memory_space<hbm>>)
    %dma_wait3A_727 = arith.constant 5 : i32
    %dma_wait3A_728 = arith.constant 1 : i32
    %dma_wait3A_729 = arith.constant 0 : i32
    %dma_wait3A_730 = arith.constant 0 : i32
    %dma_wait3A_731 = tpu.memref_slice %arg9[%dma_wait3A_727, %dma_wait3A_729, %dma_wait3A_730] : memref<7x128x128xf32, #tpu.memory_space<vmem>> -> memref<1x128x128xf32, #tpu.memory_space<vmem>>
    %dma_wait3A_732 = tpu.memref_squeeze %dma_wait3A_731 : memref<1x128x128xf32, #tpu.memory_space<vmem>> -> memref<128x128xf32, #tpu.memory_space<vmem>>
    %dma_wait3A_733 = arith.constant 0 : i32
    %dma_wait3A_734 = tpu.memref_slice %arg7[%dma_wait3A_728, %add3A_45, %dma_wait3A_733] : memref<3x16384x128xf32, #tpu.memory_space<hbm>> -> memref<1x128x128xf32, #tpu.memory_space<hbm>>
    %dma_wait3A_735 = tpu.memref_squeeze %dma_wait3A_734 : memref<1x128x128xf32, #tpu.memory_space<hbm>> -> memref<128x128xf32, #tpu.memory_space<hbm>>
    %dma_wait3A_736 = arith.constant 0 : i32
    %dma_wait3A_737 = tpu.memref_slice %arg7[%dma_wait3A_728, %add3A_45, %dma_wait3A_736] : memref<3x16384x128xf32, #tpu.memory_space<hbm>> -> memref<1x128x128xf32, #tpu.memory_space<hbm>>
    %dma_wait3A_738 = tpu.memref_squeeze %dma_wait3A_737 : memref<1x128x128xf32, #tpu.memory_space<hbm>> -> memref<128x128xf32, #tpu.memory_space<hbm>>
    %dma_wait3A_739 = arith.constant 0 : i32
    %dma_wait3A_740 = arith.constant 0 : i32
    %dma_wait3A_741 = tpu.memref_slice %arg9[%dma_wait3A_727, %dma_wait3A_739, %dma_wait3A_740] : memref<7x128x128xf32, #tpu.memory_space<vmem>> -> memref<1x128x128xf32, #tpu.memory_space<vmem>>
    %dma_wait3A_742 = tpu.memref_squeeze %dma_wait3A_741 : memref<1x128x128xf32, #tpu.memory_space<vmem>> -> memref<128x128xf32, #tpu.memory_space<vmem>>
    tpu.wait_dma2 semaphore(%arg22 : memref<!tpu.dma_semaphore, #tpu.memory_space<semaphore_mem>>) src(%dma_wait3A_742 : memref<128x128xf32, #tpu.memory_space<vmem>>) dst(%dma_wait3A_738 : memref<128x128xf32, #tpu.memory_space<hbm>>)
    %dma_wait3A_743 = arith.constant 6 : i32
    %dma_wait3A_744 = arith.constant 1 : i32
    %dma_wait3A_745 = arith.constant 0 : i32
    %dma_wait3A_746 = arith.constant 0 : i32
    %dma_wait3A_747 = tpu.memref_slice %arg9[%dma_wait3A_743, %dma_wait3A_745, %dma_wait3A_746] : memref<7x128x128xf32, #tpu.memory_space<vmem>> -> memref<1x128x128xf32, #tpu.memory_space<vmem>>
    %dma_wait3A_748 = tpu.memref_squeeze %dma_wait3A_747 : memref<1x128x128xf32, #tpu.memory_space<vmem>> -> memref<128x128xf32, #tpu.memory_space<vmem>>
    %dma_wait3A_749 = arith.constant 0 : i32
    %dma_wait3A_750 = tpu.memref_slice %arg7[%dma_wait3A_744, %add3A_47, %dma_wait3A_749] : memref<3x16384x128xf32, #tpu.memory_space<hbm>> -> memref<1x128x128xf32, #tpu.memory_space<hbm>>
    %dma_wait3A_751 = tpu.memref_squeeze %dma_wait3A_750 : memref<1x128x128xf32, #tpu.memory_space<hbm>> -> memref<128x128xf32, #tpu.memory_space<hbm>>
    %dma_wait3A_752 = arith.constant 0 : i32
    %dma_wait3A_753 = tpu.memref_slice %arg7[%dma_wait3A_744, %add3A_47, %dma_wait3A_752] : memref<3x16384x128xf32, #tpu.memory_space<hbm>> -> memref<1x128x128xf32, #tpu.memory_space<hbm>>
    %dma_wait3A_754 = tpu.memref_squeeze %dma_wait3A_753 : memref<1x128x128xf32, #tpu.memory_space<hbm>> -> memref<128x128xf32, #tpu.memory_space<hbm>>
    %dma_wait3A_755 = arith.constant 0 : i32
    %dma_wait3A_756 = arith.constant 0 : i32
    %dma_wait3A_757 = tpu.memref_slice %arg9[%dma_wait3A_743, %dma_wait3A_755, %dma_wait3A_756] : memref<7x128x128xf32, #tpu.memory_space<vmem>> -> memref<1x128x128xf32, #tpu.memory_space<vmem>>
    %dma_wait3A_758 = tpu.memref_squeeze %dma_wait3A_757 : memref<1x128x128xf32, #tpu.memory_space<vmem>> -> memref<128x128xf32, #tpu.memory_space<vmem>>
    tpu.wait_dma2 semaphore(%arg23 : memref<!tpu.dma_semaphore, #tpu.memory_space<semaphore_mem>>) src(%dma_wait3A_758 : memref<128x128xf32, #tpu.memory_space<vmem>>) dst(%dma_wait3A_754 : memref<128x128xf32, #tpu.memory_space<hbm>>)
    return
  }
}

module attributes {stable_mosaic.version = 14 : i64} {
  func.func @_mlp_body(%arg0: i32, %arg1: memref<3x4096x128xf32, #tpu.memory_space<vmem>>, %arg2: memref<128x128xf32, #tpu.memory_space<vmem>>, %arg3: memref<128x128xf32, #tpu.memory_space<vmem>>, %arg4: memref<128x1xf32, #tpu.memory_space<vmem>>, %arg5: memref<128x128xf32, #tpu.memory_space<vmem>>, %arg6: memref<128x1xf32, #tpu.memory_space<vmem>>, %arg7: memref<128x128xf32, #tpu.memory_space<vmem>>, %arg8: memref<128x1xf32, #tpu.memory_space<vmem>>, %arg9: memref<128x1xf32, #tpu.memory_space<vmem>>, %arg10: memref<1x1xf32, #tpu.memory_space<smem>>, %arg11: memref<1x1x4096xf32, #tpu.memory_space<vmem>>, %arg12: memref<1x1x4096xf32, #tpu.memory_space<vmem>>, %arg13: memref<1x128xf32, #tpu.memory_space<vmem>>) attributes {dimension_semantics = [#tpu.dimension_semantics<arbitrary>], iteration_bounds = array<i64: 4>, scalar_prefetch = 0 : i64, scratch_operands = 0 : i64, tpu.core_type = #tpu.core_type<tc>, window_params = [{transform_indices = @transform_0, window_bounds = array<i64: 3, 4096, 128>}, {pipeline_mode = #tpu.pipeline_mode<synchronous>, transform_indices = @transform_1, window_bounds = array<i64: 128, 128>}, {pipeline_mode = #tpu.pipeline_mode<synchronous>, transform_indices = @transform_2, window_bounds = array<i64: 128, 128>}, {pipeline_mode = #tpu.pipeline_mode<synchronous>, transform_indices = @transform_3, window_bounds = array<i64: 128, 1>}, {pipeline_mode = #tpu.pipeline_mode<synchronous>, transform_indices = @transform_4, window_bounds = array<i64: 128, 128>}, {pipeline_mode = #tpu.pipeline_mode<synchronous>, transform_indices = @transform_5, window_bounds = array<i64: 128, 1>}, {pipeline_mode = #tpu.pipeline_mode<synchronous>, transform_indices = @transform_6, window_bounds = array<i64: 128, 128>}, {pipeline_mode = #tpu.pipeline_mode<synchronous>, transform_indices = @transform_7, window_bounds = array<i64: 128, 1>}, {pipeline_mode = #tpu.pipeline_mode<synchronous>, transform_indices = @transform_8, window_bounds = array<i64: 128, 1>}, {transform_indices = @transform_9, window_bounds = array<i64: 1, 1>}, {transform_indices = @transform_10, window_bounds = array<i64: 1, 1, 4096>}, {transform_indices = @transform_11, window_bounds = array<i64: 1, 1, 4096>}, {pipeline_mode = #tpu.pipeline_mode<synchronous>, transform_indices = @transform_12, window_bounds = array<i64: 1, 128>}]} {
    %get3A = arith.constant 0 : index
    %get3A_0 = arith.constant 0 : index
    %get3A_1 = arith.constant 0 : index
    %get3A_2 = vector.load %arg1[%get3A, %get3A_0, %get3A_1] : memref<3x4096x128xf32, #tpu.memory_space<vmem>>, vector<1x4096x128xf32>
    %get3A_3 = vector.shape_cast %get3A_2 : vector<1x4096x128xf32> to vector<4096x128xf32>
    %get3A_4 = arith.constant 1 : index
    %get3A_5 = arith.constant 0 : index
    %get3A_6 = arith.constant 0 : index
    %get3A_7 = vector.load %arg1[%get3A_4, %get3A_5, %get3A_6] : memref<3x4096x128xf32, #tpu.memory_space<vmem>>, vector<1x4096x128xf32>
    %get3A_8 = vector.shape_cast %get3A_7 : vector<1x4096x128xf32> to vector<4096x128xf32>
    %get3A_9 = arith.constant 2 : index
    %get3A_10 = arith.constant 0 : index
    %get3A_11 = arith.constant 0 : index
    %get3A_12 = vector.load %arg1[%get3A_9, %get3A_10, %get3A_11] : memref<3x4096x128xf32, #tpu.memory_space<vmem>>, vector<1x4096x128xf32>
    %get3A_13 = vector.shape_cast %get3A_12 : vector<1x4096x128xf32> to vector<4096x128xf32>
    %get3A_14 = arith.constant 0 : index
    %get3A_15 = arith.constant 0 : index
    %get3A_16 = vector.load %arg2[%get3A_14, %get3A_15] : memref<128x128xf32, #tpu.memory_space<vmem>>, vector<128x128xf32>
    %dot_general3A = arith.constant dense<0.000000e+00> : vector<128x4096xf32>
    %dot_general3A_17 = tpu.matmul %get3A_16, %get3A_3, %dot_general3A {dimension_numbers = #tpu.dot_dimension_numbers<[1], [1], [0], [0], [0, 0, 1, 0], [], []>, transpose_lhs_hint = false} : vector<128x128xf32>, vector<4096x128xf32>, vector<128x4096xf32> -> vector<128x4096xf32>
    %get3A_18 = arith.constant 0 : index
    %get3A_19 = arith.constant 0 : index
    %get3A_20 = vector.load %arg4[%get3A_18, %get3A_19] : memref<128x1xf32, #tpu.memory_space<vmem>>, vector<128x1xf32>
    %get3A_21 = arith.constant 0 : index
    %get3A_22 = arith.constant 0 : index
    %get3A_23 = vector.load %arg3[%get3A_21, %get3A_22] : memref<128x128xf32, #tpu.memory_space<vmem>>, vector<128x128xf32>
    %dot_general3A_24 = arith.constant dense<0.000000e+00> : vector<128x4096xf32>
    %dot_general3A_25 = tpu.matmul %get3A_23, %get3A_8, %dot_general3A_24 {dimension_numbers = #tpu.dot_dimension_numbers<[1], [1], [0], [0], [0, 0, 1, 0], [], []>, transpose_lhs_hint = false} : vector<128x128xf32>, vector<4096x128xf32>, vector<128x4096xf32> -> vector<128x4096xf32>
    %add3A = arith.addf %dot_general3A_17, %dot_general3A_25 : vector<128x4096xf32>
    %add3A_26 = vector.broadcast %get3A_20 : vector<128x1xf32> to vector<128x4096xf32>
    %add3A_27 = arith.addf %add3A, %add3A_26 : vector<128x4096xf32>
    %max3A = arith.constant 0.000000e+00 : f32
    %max3A_28 = vector.broadcast %max3A : f32 to vector<128x4096xf32>
    %max3A_29 = arith.maximumf %add3A_27, %max3A_28 : vector<128x4096xf32>
    %get3A_30 = arith.constant 0 : index
    %get3A_31 = arith.constant 0 : index
    %get3A_32 = vector.load %arg3[%get3A_30, %get3A_31] : memref<128x128xf32, #tpu.memory_space<vmem>>, vector<128x128xf32>
    %dot_general3A_33 = arith.constant dense<0.000000e+00> : vector<128x4096xf32>
    %dot_general3A_34 = tpu.matmul %get3A_32, %get3A_13, %dot_general3A_33 {dimension_numbers = #tpu.dot_dimension_numbers<[1], [1], [0], [0], [0, 0, 1, 0], [], []>, transpose_lhs_hint = false} : vector<128x128xf32>, vector<4096x128xf32>, vector<128x4096xf32> -> vector<128x4096xf32>
    %add3A_35 = arith.addf %dot_general3A_17, %dot_general3A_34 : vector<128x4096xf32>
    %add3A_36 = vector.broadcast %get3A_20 : vector<128x1xf32> to vector<128x4096xf32>
    %add3A_37 = arith.addf %add3A_35, %add3A_36 : vector<128x4096xf32>
    %max3A_38 = arith.constant 0.000000e+00 : f32
    %max3A_39 = vector.broadcast %max3A_38 : f32 to vector<128x4096xf32>
    %max3A_40 = arith.maximumf %add3A_37, %max3A_39 : vector<128x4096xf32>
    %get3A_41 = arith.constant 0 : index
    %get3A_42 = arith.constant 0 : index
    %get3A_43 = vector.load %arg5[%get3A_41, %get3A_42] : memref<128x128xf32, #tpu.memory_space<vmem>>, vector<128x128xf32>
    %get3A_44 = arith.constant 0 : index
    %get3A_45 = arith.constant 0 : index
    %get3A_46 = vector.load %arg6[%get3A_44, %get3A_45] : memref<128x1xf32, #tpu.memory_space<vmem>>, vector<128x1xf32>
    %dot_general3A_47 = arith.constant dense<0.000000e+00> : vector<128x4096xf32>
    %dot_general3A_48 = tpu.matmul %get3A_43, %max3A_29, %dot_general3A_47 {dimension_numbers = #tpu.dot_dimension_numbers<[1], [0], [0], [1], [0, 0, 1, 1], [], []>, transpose_lhs_hint = false} : vector<128x128xf32>, vector<128x4096xf32>, vector<128x4096xf32> -> vector<128x4096xf32>
    %add3A_49 = vector.broadcast %get3A_46 : vector<128x1xf32> to vector<128x4096xf32>
    %add3A_50 = arith.addf %dot_general3A_48, %add3A_49 : vector<128x4096xf32>
    %max3A_51 = arith.constant 0.000000e+00 : f32
    %max3A_52 = vector.broadcast %max3A_51 : f32 to vector<128x4096xf32>
    %max3A_53 = arith.maximumf %add3A_50, %max3A_52 : vector<128x4096xf32>
    %dot_general3A_54 = arith.constant dense<0.000000e+00> : vector<128x4096xf32>
    %dot_general3A_55 = tpu.matmul %get3A_43, %max3A_40, %dot_general3A_54 {dimension_numbers = #tpu.dot_dimension_numbers<[1], [0], [0], [1], [0, 0, 1, 1], [], []>, transpose_lhs_hint = false} : vector<128x128xf32>, vector<128x4096xf32>, vector<128x4096xf32> -> vector<128x4096xf32>
    %add3A_56 = vector.broadcast %get3A_46 : vector<128x1xf32> to vector<128x4096xf32>
    %add3A_57 = arith.addf %dot_general3A_55, %add3A_56 : vector<128x4096xf32>
    %max3A_58 = arith.constant 0.000000e+00 : f32
    %max3A_59 = vector.broadcast %max3A_58 : f32 to vector<128x4096xf32>
    %max3A_60 = arith.maximumf %add3A_57, %max3A_59 : vector<128x4096xf32>
    %get3A_61 = arith.constant 0 : index
    %get3A_62 = arith.constant 0 : index
    %get3A_63 = vector.load %arg7[%get3A_61, %get3A_62] : memref<128x128xf32, #tpu.memory_space<vmem>>, vector<128x128xf32>
    %get3A_64 = arith.constant 0 : index
    %get3A_65 = arith.constant 0 : index
    %get3A_66 = vector.load %arg8[%get3A_64, %get3A_65] : memref<128x1xf32, #tpu.memory_space<vmem>>, vector<128x1xf32>
    %dot_general3A_67 = arith.constant dense<0.000000e+00> : vector<128x4096xf32>
    %dot_general3A_68 = tpu.matmul %get3A_63, %max3A_53, %dot_general3A_67 {dimension_numbers = #tpu.dot_dimension_numbers<[1], [0], [0], [1], [0, 0, 1, 1], [], []>, transpose_lhs_hint = false} : vector<128x128xf32>, vector<128x4096xf32>, vector<128x4096xf32> -> vector<128x4096xf32>
    %add3A_69 = vector.broadcast %get3A_66 : vector<128x1xf32> to vector<128x4096xf32>
    %add3A_70 = arith.addf %dot_general3A_68, %add3A_69 : vector<128x4096xf32>
    %max3A_71 = arith.constant 0.000000e+00 : f32
    %max3A_72 = vector.broadcast %max3A_71 : f32 to vector<128x4096xf32>
    %max3A_73 = arith.maximumf %add3A_70, %max3A_72 : vector<128x4096xf32>
    %dot_general3A_74 = arith.constant dense<0.000000e+00> : vector<128x4096xf32>
    %dot_general3A_75 = tpu.matmul %get3A_63, %max3A_60, %dot_general3A_74 {dimension_numbers = #tpu.dot_dimension_numbers<[1], [0], [0], [1], [0, 0, 1, 1], [], []>, transpose_lhs_hint = false} : vector<128x128xf32>, vector<128x4096xf32>, vector<128x4096xf32> -> vector<128x4096xf32>
    %add3A_76 = vector.broadcast %get3A_66 : vector<128x1xf32> to vector<128x4096xf32>
    %add3A_77 = arith.addf %dot_general3A_75, %add3A_76 : vector<128x4096xf32>
    %max3A_78 = arith.constant 0.000000e+00 : f32
    %max3A_79 = vector.broadcast %max3A_78 : f32 to vector<128x4096xf32>
    %max3A_80 = arith.maximumf %add3A_77, %max3A_79 : vector<128x4096xf32>
    %get3A_81 = arith.constant 0 : index
    %get3A_82 = arith.constant 0 : index
    %get3A_83 = vector.load %arg9[%get3A_81, %get3A_82] : memref<128x1xf32, #tpu.memory_space<vmem>>, vector<128x1xf32>
    %get3A_84 = arith.constant 0 : index
    %get3A_85 = arith.constant 0 : index
    %get3A_86 = memref.load %arg10[%get3A_84, %get3A_85] : memref<1x1xf32, #tpu.memory_space<smem>>
    %mul3A = vector.broadcast %get3A_83 : vector<128x1xf32> to vector<128x4096xf32>
    %mul3A_87 = arith.mulf %max3A_73, %mul3A : vector<128x4096xf32>
    %reduce_sum3A = arith.constant dense<0.000000e+00> : vector<4096xf32>
    %reduce_sum3A_88 = vector.multi_reduction <add>, %mul3A_87, %reduce_sum3A [0] : vector<128x4096xf32> to vector<4096xf32>
    %broadcast_in_dim3A = vector.shape_cast %reduce_sum3A_88 : vector<4096xf32> to vector<1x4096xf32>
    %add3A_89 = vector.broadcast %get3A_86 : f32 to vector<1x4096xf32>
    %add3A_90 = arith.addf %broadcast_in_dim3A, %add3A_89 : vector<1x4096xf32>
    %mul3A_91 = vector.broadcast %get3A_83 : vector<128x1xf32> to vector<128x4096xf32>
    %mul3A_92 = arith.mulf %max3A_80, %mul3A_91 : vector<128x4096xf32>
    %reduce_sum3A_93 = arith.constant dense<0.000000e+00> : vector<4096xf32>
    %reduce_sum3A_94 = vector.multi_reduction <add>, %mul3A_92, %reduce_sum3A_93 [0] : vector<128x4096xf32> to vector<4096xf32>
    %broadcast_in_dim3A_95 = vector.shape_cast %reduce_sum3A_94 : vector<4096xf32> to vector<1x4096xf32>
    %add3A_96 = vector.broadcast %get3A_86 : f32 to vector<1x4096xf32>
    %add3A_97 = arith.addf %broadcast_in_dim3A_95, %add3A_96 : vector<1x4096xf32>
    %broadcast_in_dim3A_98 = vector.shape_cast %add3A_90 : vector<1x4096xf32> to vector<1x1x4096xf32>
    %swap3A = arith.constant 0 : index
    %swap3A_99 = arith.constant 0 : index
    %swap3A_100 = arith.constant 0 : index
    %swap3A_101 = vector.load %arg11[%swap3A, %swap3A_99, %swap3A_100] : memref<1x1x4096xf32, #tpu.memory_space<vmem>>, vector<1x1x4096xf32>
    tpu.vector_store %arg11[%swap3A, %swap3A_99, %swap3A_100], %broadcast_in_dim3A_98 {strides = array<i32>} : memref<1x1x4096xf32, #tpu.memory_space<vmem>>, vector<1x1x4096xf32>,
    %broadcast_in_dim3A_102 = vector.shape_cast %add3A_97 : vector<1x4096xf32> to vector<1x1x4096xf32>
    %swap3A_103 = arith.constant 0 : index
    %swap3A_104 = arith.constant 0 : index
    %swap3A_105 = arith.constant 0 : index
    %swap3A_106 = vector.load %arg12[%swap3A_103, %swap3A_104, %swap3A_105] : memref<1x1x4096xf32, #tpu.memory_space<vmem>>, vector<1x1x4096xf32>
    tpu.vector_store %arg12[%swap3A_103, %swap3A_104, %swap3A_105], %broadcast_in_dim3A_102 {strides = array<i32>} : memref<1x1x4096xf32, #tpu.memory_space<vmem>>, vector<1x1x4096xf32>,
    %sub3A = arith.subf %add3A_90, %add3A_97 : vector<1x4096xf32>
    %neg3A = arith.constant 0.000000e+00 : f32
    %neg3A_107 = vector.broadcast %neg3A : f32 to vector<1x4096xf32>
    %neg3A_108 = arith.subf %neg3A_107, %sub3A : vector<1x4096xf32>
    %max3A_109 = arith.constant 0.000000e+00 : f32
    %max3A_110 = vector.broadcast %max3A_109 : f32 to vector<1x4096xf32>
    %max3A_111 = arith.maximumf %neg3A_108, %max3A_110 : vector<1x4096xf32>
    %abs3A = math.absf %sub3A : vector<1x4096xf32>
    %neg3A_112 = arith.constant 0.000000e+00 : f32
    %neg3A_113 = vector.broadcast %neg3A_112 : f32 to vector<1x4096xf32>
    %neg3A_114 = arith.subf %neg3A_113, %abs3A : vector<1x4096xf32>
    %exp3A = math.exp %neg3A_114 : vector<1x4096xf32>
    %add3A_115 = arith.constant 1.000000e+00 : f32
    %add3A_116 = vector.broadcast %add3A_115 : f32 to vector<1x4096xf32>
    %add3A_117 = arith.addf %add3A_116, %exp3A : vector<1x4096xf32>
    %log3A = math.log %add3A_117 : vector<1x4096xf32>
    %add3A_118 = arith.addf %max3A_111, %log3A : vector<1x4096xf32>
    %neg3A_119 = arith.constant 0.000000e+00 : f32
    %neg3A_120 = vector.broadcast %neg3A_119 : f32 to vector<1x4096xf32>
    %neg3A_121 = arith.subf %neg3A_120, %add3A_118 : vector<1x4096xf32>
    %mul3A_122 = arith.constant 1.44269502 : f32
    %mul3A_123 = vector.broadcast %mul3A_122 : f32 to vector<1x4096xf32>
    %mul3A_124 = arith.mulf %neg3A_121, %mul3A_123 : vector<1x4096xf32>
    %reduce_sum3A_125 = vector.shape_cast %mul3A_124 : vector<1x4096xf32> to vector<1x1x4096xf32>
    %reduce_sum3A_126 = arith.constant dense<0.000000e+00> : vector<1xf32>
    %reduce_sum3A_127 = vector.multi_reduction <add>, %reduce_sum3A_125, %reduce_sum3A_126 [1, 2] : vector<1x1x4096xf32> to vector<1xf32>
    %reduce_sum3A_128 = vector.shape_cast %reduce_sum3A_127 : vector<1xf32> to vector<1x1x1xf32>
    %reduce_sum3A_129 = vector.extract %reduce_sum3A_128[0, 0, 0] : f32 from vector<1x1x1xf32>
    %neg3A_130 = arith.constant 0.000000e+00 : f32
    %neg3A_131 = arith.subf %neg3A_130, %reduce_sum3A_129 : f32
    %broadcast_in_dim3A_132 = vector.broadcast %neg3A_131 : f32 to vector<1x128xf32>
    %eq3A = arith.constant 0 : i32
    %eq3A_133 = arith.cmpi eq, %arg0, %eq3A : i32
    %convert_element_type3A = arith.extui %eq3A_133 : i1 to i32
    %cond3A = arith.constant 0 : i32
    %cond3A_134 = arith.cmpi ne, %convert_element_type3A, %cond3A : i32
    scf.if %cond3A_134 {
      %broadcast_in_dim3A_142 = arith.constant 0.000000e+00 : f32
      %broadcast_in_dim3A_143 = vector.broadcast %broadcast_in_dim3A_142 : f32 to vector<1x128xf32>
      %swap3A_144 = arith.constant 0 : index
      %swap3A_145 = arith.constant 0 : index
      %swap3A_146 = vector.load %arg13[%swap3A_144, %swap3A_145] : memref<1x128xf32, #tpu.memory_space<vmem>>, vector<1x128xf32>
      tpu.vector_store %arg13[%swap3A_144, %swap3A_145], %broadcast_in_dim3A_143 {strides = array<i32>} : memref<1x128xf32, #tpu.memory_space<vmem>>, vector<1x128xf32>,
    } else {
    }
    %get3A_135 = arith.constant 0 : index
    %get3A_136 = arith.constant 0 : index
    %get3A_137 = vector.load %arg13[%get3A_135, %get3A_136] : memref<1x128xf32, #tpu.memory_space<vmem>>, vector<1x128xf32>
    %add3A_138 = arith.addf %get3A_137, %broadcast_in_dim3A_132 : vector<1x128xf32>
    %swap3A_139 = arith.constant 0 : index
    %swap3A_140 = arith.constant 0 : index
    %swap3A_141 = vector.load %arg13[%swap3A_139, %swap3A_140] : memref<1x128xf32, #tpu.memory_space<vmem>>, vector<1x128xf32>
    tpu.vector_store %arg13[%swap3A_139, %swap3A_140], %add3A_138 {strides = array<i32>} : memref<1x128xf32, #tpu.memory_space<vmem>>, vector<1x128xf32>,
    return
  }
  func.func @transform_0(%arg0: i32) -> (i32, i32, i32) {
    %c0_i32 = arith.constant 0 : i32
    %c0_i32_0 = arith.constant 0 : i32
    %c0_i32_1 = arith.constant 0 : i32
    return %c0_i32, %arg0, %c0_i32_0 : i32, i32, i32
  }
  func.func @transform_1(%arg0: i32) -> (i32, i32) {
    %c0_i32 = arith.constant 0 : i32
    %c0_i32_0 = arith.constant 0 : i32
    %c0_i32_1 = arith.constant 0 : i32
    return %c0_i32, %c0_i32_0 : i32, i32
  }
  func.func @transform_2(%arg0: i32) -> (i32, i32) {
    %c0_i32 = arith.constant 0 : i32
    %c0_i32_0 = arith.constant 0 : i32
    %c0_i32_1 = arith.constant 0 : i32
    return %c0_i32, %c0_i32_0 : i32, i32
  }
  func.func @transform_3(%arg0: i32) -> (i32, i32) {
    %c0_i32 = arith.constant 0 : i32
    %c0_i32_0 = arith.constant 0 : i32
    %c0_i32_1 = arith.constant 0 : i32
    return %c0_i32, %c0_i32_0 : i32, i32
  }
  func.func @transform_4(%arg0: i32) -> (i32, i32) {
    %c0_i32 = arith.constant 0 : i32
    %c0_i32_0 = arith.constant 0 : i32
    %c0_i32_1 = arith.constant 0 : i32
    return %c0_i32, %c0_i32_0 : i32, i32
  }
  func.func @transform_5(%arg0: i32) -> (i32, i32) {
    %c0_i32 = arith.constant 0 : i32
    %c0_i32_0 = arith.constant 0 : i32
    %c0_i32_1 = arith.constant 0 : i32
    return %c0_i32, %c0_i32_0 : i32, i32
  }
  func.func @transform_6(%arg0: i32) -> (i32, i32) {
    %c0_i32 = arith.constant 0 : i32
    %c0_i32_0 = arith.constant 0 : i32
    %c0_i32_1 = arith.constant 0 : i32
    return %c0_i32, %c0_i32_0 : i32, i32
  }
  func.func @transform_7(%arg0: i32) -> (i32, i32) {
    %c0_i32 = arith.constant 0 : i32
    %c0_i32_0 = arith.constant 0 : i32
    %c0_i32_1 = arith.constant 0 : i32
    return %c0_i32, %c0_i32_0 : i32, i32
  }
  func.func @transform_8(%arg0: i32) -> (i32, i32) {
    %c0_i32 = arith.constant 0 : i32
    %c0_i32_0 = arith.constant 0 : i32
    %c0_i32_1 = arith.constant 0 : i32
    return %c0_i32, %c0_i32_0 : i32, i32
  }
  func.func @transform_9(%arg0: i32) -> (i32, i32) {
    %c0_i32 = arith.constant 0 : i32
    %c0_i32_0 = arith.constant 0 : i32
    %c0_i32_1 = arith.constant 0 : i32
    return %c0_i32, %c0_i32_0 : i32, i32
  }
  func.func @transform_10(%arg0: i32) -> (i32, i32, i32) {
    %c0_i32 = arith.constant 0 : i32
    %c0_i32_0 = arith.constant 0 : i32
    %c0_i32_1 = arith.constant 0 : i32
    return %arg0, %c0_i32, %c0_i32_0 : i32, i32, i32
  }
  func.func @transform_11(%arg0: i32) -> (i32, i32, i32) {
    %c0_i32 = arith.constant 0 : i32
    %c0_i32_0 = arith.constant 0 : i32
    %c0_i32_1 = arith.constant 0 : i32
    return %arg0, %c0_i32, %c0_i32_0 : i32, i32, i32
  }
  func.func @transform_12(%arg0: i32) -> (i32, i32) {
    %c0_i32 = arith.constant 0 : i32
    %c0_i32_0 = arith.constant 0 : i32
    %c0_i32_1 = arith.constant 0 : i32
    return %c0_i32, %c0_i32_0 : i32, i32
  }
}

</mosaic_0001>

<sc_bundles>
// kernel: kernel.4.cloned.1.call-start
scs
__scs_entry_jumppad:
0x0: {  	(pc) =	sbr.rel $0x88, $3  }
0x1: {  	(tag) =	ssettag $0x0;
	lr =	simm.s32 $0x1  }
0x2: {  	[smem:$0x3F94] =	sst lr;
	_ =	strace $0xD0000000  }
0x3: {  	_ = 	snop  }
0x4: {  	_ = 	snop  }
0x5: {  	_ = 	snop  }
0x6: {  	_ = 	snop  }
0x7: {  	_ = 	snop  }
__scs_overlays_trampoline_lowered:
0x8: {  	[smem:$0x3FA3] =	sst s0  }
0x9: {  	[smem:$0x3FA4] =	sst s1  }
0xa: {  	[smem:$0x3FA5] =	sst s2  }
0xb: {  	[smem:$0x3FA6] =	sst s3  }
0xc: {  	[smem:$0x3FA7] =	sst s4  }
0xd: {  	[smem:$0x3FA8] =	sst s5  }
0xe: {  	[smem:$0x3FA9] =	sst s6  }
0xf: {  	[smem:$0x3FAA] =	sst s7  }
0x10: {  	[smem:$0x3FAB] =	sst s8  }
0x11: {  	[smem:$0x3FAC] =	sst s9;
	s0 =	simm.s32 @!p0 $0x0  }
0x12: {  	s1 =	sld [smem:$0x3F92];
	s0 =	simm.s32 @p0 $0x1  }
0x13: {  	[smem:$0x3FAD] =	sst s0;
	s0 =	simm.s32 @!p1 $0x0  }
0x14: {  	s2 =	sld [smem:$0x3F91];
	s0 =	simm.s32 @p1 $0x1  }
0x15: {  	[smem:$0x3FAE] =	sst s0;
	s0 =	simm.s32 @!p2 $0x0  }
0x16: {  	s3 =	sld [smem:$0x3FDB];
	s0 =	simm.s32 @p2 $0x1  }
0x17: {  	s4 =	simm.s32 $0x1BF5;
	[smem:$0x3FB0] =	sst s0  }
0x18: {  	s0 =	sld [smem:$0x3F93];
	_ =	swait.ge [sflag:s4], $0x0  }
0x19: {  	s7 =	sld [smem:$0x3F94]  }
0x1a: {  	s8 =	sadd.s32 $0xFFFFE003, lr  }
0x1b: {  	s9 =	sadd.s32 $0xFFFFFEF7, lr;
	s5 =	simm.s32 $0xFFFFFFFF;
	p2 =	slt.u32 s8, $0xFFFFF086  }
0x1c: {  	p1 =	slt.u32 s9, $0xF7A;
	s5 =	simm.s32 @!p2 $0x0  }
0x1d: {  	s5 =	simm.s32 @p1 $0x1;
	p0 =	seq.s32 s7, s2  }
0x1e: {  	s7 =	smul.u32 @!p0 $0xF7A, s2;
	p2 =	seq.s32 @!p0 s5, $0x0  }
0x1f: {  	s9 =	smul.u32 $0xF7A, s1;
	s8 =	simm.s32 @!p0 $0x1BF5;
	p2 =	por !p2, p0  }
0x20: {  	[sflag:s8] =	ssyncset.s32 @!p0 $0xFFFFF086;
	s6 =	sadd.s32 @!p0 s3, s7;
	s7 =	simm.s32 @!p0 $0x108  }
0x21: {  	s3 =	sadd.s32 s3, s9;
	s6 =	sadd.s32 @!p0 $0x88, s6;
	s7 =	simm.s32 @p2 $0x1082  }
0x22: {  	[simem:s7], [sflag:s8] =	dma.local @!p0 [hbm:s6], $0xF7A  }
0x23: {  	s9 =	sor.u32 $0xD0000000, s2;
	s6 =	simm.s32 $0x108;
	_ =	swait.ge @!p0 [sflag:s8], $0x0  }
0x24: {  	s3 =	sadd.s32 $0x88, s3;
	s6 =	simm.s32 @!p1 $0x1082;
	[sflag:s4] =	ssyncset.s32 $0xFFFFF086  }
0x25: {  	[simem:s6], [sflag:s4] =	dma.local [hbm:s3], $0xF7A  }
0x26: {  	[smem:$0x3F94] =	sst s1;
	(tag) =	ssettag s2;
	_ =	strace s9  }
0x27: {  	s1 =	sld [smem:$0x3FA4]  }
0x28: {  	s2 =	sld [smem:$0x3FA5]  }
0x29: {  	s4 =	sld [smem:$0x3FA7]  }
0x2a: {  	p0 =	seq.s32 s5, $0x0;
	s5 =	sld [smem:$0x3FA8]  }
0x2b: {  	s6 =	sld [smem:$0x3FA9]  }
0x2c: {  	s7 =	sld [smem:$0x3FAA]  }
0x2d: {  	s3 =	simm.s32 $0x108;
	s8 =	sld [smem:$0x3FAB]  }
0x2e: {  	s3 =	simm.s32 @!p0 $0x1082;
	s9 =	sld [smem:$0x3FAC]  }
0x2f: {  	lr =	sadd.s32 s0, s3;
	s0 =	sld [smem:$0x3FA3]  }
0x30: {  	s3 =	sld [smem:$0x3FA6]  }
0x31: {  	[smem:$0x3FAF] =	sst s10  }
0x32: {  	s10 =	sld [smem:$0x3FAD];
	_ =	sdelay $0x3  }
0x33: {  	p0 =	seq.s32 s10, $0x1;
	s10 =	sld [smem:$0x3FAF];
	_ =	sdelay $0x3  }
0x34: {  	[smem:$0x3FAF] =	sst s10  }
0x35: {  	s10 =	sld [smem:$0x3FAE];
	_ =	sdelay $0x3  }
0x36: {  	p1 =	seq.s32 s10, $0x1;
	s10 =	sld [smem:$0x3FAF];
	_ =	sdelay $0x3  }
0x37: {  	[smem:$0x3FAF] =	sst s10  }
0x38: {  	s10 =	sld [smem:$0x3FB0]  }
0x39: {  	_ = 	snop;
	(pc) =	sbr.ind lr, $3  }
0x3a: {  	_ = 	snop  }
0x3b: {  	_ = 	snop  }
0x3c: {  	p2 =	seq.s32 s10, $0x1;
	s10 =	sld [smem:$0x3FAF]  }
0x3d: {  	_ =	shalt  }
0x3e: {  	_ =	shalt  }
0x3f: {  	_ =	shalt  }
0x40: {  	_ =	shalt  }
0x41: {  	_ =	shalt  }
0x42: {  	_ =	shalt  }
0x43: {  	_ =	shalt  }
0x44: {  	_ =	shalt  }
0x45: {  	_ =	shalt  }
0x46: {  	_ =	shalt  }
0x47: {  	_ =	shalt  }
0x48: {  	_ =	shalt  }
0x49: {  	_ =	shalt  }
0x4a: {  	_ =	shalt  }
0x4b: {  	_ =	shalt  }
0x4c: {  	_ =	shalt  }
0x4d: {  	_ =	shalt  }
0x4e: {  	_ =	shalt  }
0x4f: {  	_ =	shalt  }
0x50: {  	_ =	shalt  }
0x51: {  	_ =	shalt  }
0x52: {  	_ =	shalt  }
0x53: {  	_ =	shalt  }
0x54: {  	_ =	shalt  }
0x55: {  	_ =	shalt  }
0x56: {  	_ =	shalt  }
0x57: {  	_ =	shalt  }
0x58: {  	_ =	shalt  }
0x59: {  	_ =	shalt  }
0x5a: {  	_ =	shalt  }
0x5b: {  	_ =	shalt  }
0x5c: {  	_ =	shalt  }
0x5d: {  	_ =	shalt  }
0x5e: {  	_ =	shalt  }
0x5f: {  	_ =	shalt  }
0x60: {  	_ =	shalt  }
0x61: {  	_ =	shalt  }
0x62: {  	_ =	shalt  }
0x63: {  	_ =	shalt  }
0x64: {  	_ =	shalt  }
0x65: {  	_ =	shalt  }
0x66: {  	_ =	shalt  }
0x67: {  	_ =	shalt  }
0x68: {  	_ =	shalt  }
0x69: {  	_ =	shalt  }
0x6a: {  	_ =	shalt  }
0x6b: {  	_ =	shalt  }
0x6c: {  	_ =	shalt  }
0x6d: {  	_ =	shalt  }
0x6e: {  	_ =	shalt  }
0x6f: {  	_ =	shalt  }
0x70: {  	_ =	shalt  }
0x71: {  	_ =	shalt  }
0x72: {  	_ =	shalt  }
0x73: {  	_ =	shalt  }
0x74: {  	_ =	shalt  }
0x75: {  	_ =	shalt  }
0x76: {  	_ =	shalt  }
0x77: {  	_ =	shalt  }
0x78: {  	_ =	shalt  }
0x79: {  	_ =	shalt  }
0x7a: {  	_ =	shalt  }
0x7b: {  	_ =	shalt  }
0x7c: {  	_ =	shalt  }
0x7d: {  	_ =	shalt  }
0x7e: {  	_ =	shalt  }
0x7f: {  	_ =	shalt  }
0x80: {  	_ =	shalt  }
0x81: {  	_ =	shalt  }
0x82: {  	_ =	shalt  }
0x83: {  	_ =	shalt  }
0x84: {  	_ =	shalt  }
0x85: {  	_ =	shalt  }
0x86: {  	_ =	shalt  }
0x87: {  	_ =	shalt  }
.Lfunc_end0:
.L_simem_size_0:
called_computation_lowered:
.L_overlay_start_0:
0x88: {  	s2 =	sld [smem:$0x3FD9]  }
0x89: {  	s3 =	sld [smem:$0x3FFE];
	_ =	sdelay $0x1  }
0x8a: {  	s1 =	srdreg.scid  }
0x8b: {  	s0 =	sand.u32 $0x1, s1  }
0x8c: {  	s17 =	sshll.u32 s0, $0xA;
	s2 =	sadd.s32 s3, s2  }
0x8d: {  	s2 =	sadd.s32 s2, s17  }
0x8e: {  	[smem:$0x3FBB] =	sst s2  }
0x8f: {  	_ = 	snop  }
0x90: {  	s2 =	sld [smem:$0x3FC9]  }
0x91: {  	s18 =	sld [smem:$0x3FC8]  }
0x92: {  	s4 =	sld [smem:$0x3FC7]  }
0x93: {  	s5 =	sld [smem:$0x3FC6]  }
0x94: {  	s6 =	sld [smem:$0x3FC5];
	(tm) =	ssettm $0x1  }
0x95: {  	s7 =	sld [smem:$0x3FFB];
	_ =	sdelay $0x3  }
0x96: {  	_ =	strace s7  }
0x97: {  	s7 =	sld [smem:$0x3FFC];
	_ =	sdelay $0x3  }
0x98: {  	_ =	strace s7  }
0x99: {  	s7 =	sld [smem:$0x3FFD];
	_ =	sdelay $0x3  }
0x9a: {  	_ =	strace s7  }
0x9b: {  	_ =	strace $0x8FFFFFFF  }
0x9c: {  	s19 =	sld [smem:$0x3FDB];
	_ =	sdelay $0x1  }
0x9d: {  	s8 =	simm.s32 $_scs_section_size  }
0x9e: {  	s9 =	simm.s32 $_size__tile_overlayer_lowered;
	s10 =	simm.s32 $_tile_overlayer_lowered  }
0x9f: {  	s22 =	simm.s32 $0x1BFF;
	s21 =	sshll.u32 s10, $0x1;
	s7 =	sadd.s32 s8, s19  }
0xa0: {  	s11 =	simm.s32 $0x0;
	s20 =	sshll.u32 s9, $0x1;
	s9 =	sadd.s32 s21, s7  }
0xa1: {  	[timem:s11], [sflag:s22] =	dma.local [hbm:s9], s20  }
0xa2: {  	_ =	swait.ge [sflag:s22], s20  }
0xa3: {  	s8 =	ssub.s32 $0x0, s20;
	[sflag:s22] =	ssyncset.done $0x0  }
0xa4: {  	[sflag:s22] =	ssyncadd.s32 s8;
	_ =	sdelay $0x1  }
0xa5: {  	s23 =	simm.s32 $0x1B8B  }
0xa6: {  	_ =	swait.ge [sflag:s23], $0x1  }
0xa7: {  	[sflag:s23] =	ssyncset.done $0x0  }
0xa8: {  	s25 =	simm.s32 $0x1B8E;
	s24 =	sld [smem:$0x3FFE];
	[sflag:s23] =	ssyncadd.s32 $0xFFFFFFFF  }
0xa9: {  	s26 =	simm.s32 $execute0_lowered;
	[smem:$0x3FD2] =	sst s25  }
0xaa: {  	s9 =	sshll.u32 s26, $0x1;
	_ =	strace $0x80000046;
	[dreg:$0x1] =	wrdreg $0xFFFFFFFF  }
0xab: {  	s28 =	simm.s32 $_size_execute0_lowered;
	s7 =	sadd.s32 s7, s9;
	[dreg:$0x0] =	wrdreg $0x0  }
0xac: {  	s9 =	sshll.u32 s28, $0x1;
	[dreg:$0x2] =	wrdreg s7  }
0xad: {  	[dreg:$0x3] =	wrdreg s9  }
0xae: {  	[dreg:$0x4] =	wrdreg $0xC0  }
0xaf: {  	_ =	task [dreg:s11], $0x5FFFF  }
0xb0: {  	[dreg:$0x1] =	wrdreg $0xFFFFFFFF  }
0xb1: {  	[dreg:$0x0] =	wrdreg $0x60  }
0xb2: {  	[dreg:$0x2] =	wrdreg s2  }
0xb3: {  	[dreg:$0x3] =	wrdreg s18  }
0xb4: {  	[dreg:$0x4] =	wrdreg s4  }
0xb5: {  	[dreg:$0x5] =	wrdreg s5  }
0xb6: {  	[dreg:$0x6] =	wrdreg s6  }
0xb7: {  	[dreg:$0x7] =	wrdreg s24  }
0xb8: {  	[dreg:$0x8] =	wrdreg $0x9  }
0xb9: {  	_ =	task.clear_ibuf [dreg:s11], $0x9FFFF;
	_ =	strace $0x90000046  }
0xba: {  	s29 =	simm.s32 $0x9;
	_ =	strace $0x80000048  }
0xbb: {  	_ =	swait.ge [sflag:s29], $0x1  }
0xbc: {  	[sflag:s29] =	ssyncadd.s32 $0xFFFFFFFF  }
0xbd: {  	_ =	strace $0x90000048  }
0xbe: {  	_ =	sfence  }
0xbf: {  	s30 =	sld [smem:$0x0];
	_ =	sdelay $0x2  }
0xc0: {  	s31 =	sshll.u32 s1, $0xD;
	s1 =	sshrl.u32 s1, $0x2  }
0xc1: {  	s3 =	sand.u32 $0x4000, s31;
	s1 =	sadd.s32 s1, s30  }
0xc2: {  	s0 =	sor.u32 s3, s0;
	s1 =	sshll.u32 s1, $0x11  }
0xc3: {  	s0 =	sor.u32 s1, s0  }
0xc4: {  	s0 =	sadd.s32 $0x8F2B, s0  }
0xc5: {  	[sflag:s0] =	ssyncadd.remote.s32 $0x1  }
0xc6: {  	_ =	sfence.sel $0xFFFF  }
0xc7: {  	[dreg:$0x0] =	wrdreg $0xFFFFFFFF;
	(pc) =	sbr.abs _section_cstart, $3  }
0xc8: {  	[dreg:$0x1] =	wrdreg $0xFFFFFFFF  }
0xc9: {  	_ =	task.clear_ibuf [dreg:s11], $0x2FFFF;
	_ =	strace $0x9FFFFFFF  }
0xca: {  	(tm) =	ssettm $0x7FFFFFFF  }
0xcb: {  	_ =	shalt  }
tec
execute0_lowered:
.L_overlay_start_1:
0x0: {  	(tag) =	ssettag $0x1  }
0x1: {  	s0 =	rddreg [dreg:$0x0]  }
0x2: {  	s1 =	rddreg [dreg:$0x1]  }
0x3: {  	s4 =	rddreg [dreg:$0x2]  }
0x4: {  	s22 =	rddreg [dreg:$0x3]  }
0x5: {  	s3 =	rddreg [dreg:$0x4]  }
0x6: {  	s5 =	rddreg [dreg:$0x5]  }
0x7: {  	s28 =	rddreg [dreg:$0x6];
	s6 =	srdreg.scid  }
0x8: {  	s2 =	simm.s32 $0x0;
	s9 =	stileid.u32;
	s31 =	simm.s32 $0x200  }
0x9: {  	s30 =	simm.s32 $0x6;
	p0 =	por $0x0, $0x0;
	s29 =	simm.s32 $0x7  }
0xa: {  	s6 =	sand.u32 $0x1, s6;
	[smem:$0x7FF] =	sst s2;
	s7 =	sshll.u32 s9, $0x7  }
0xb: {  	s25 =	sshll.u32 s9, $0xE;
	s9 =	simm.s32 $0x280;
	s8 =	sshll.u32 s6, $0x6  }
0xc: {  	_ =	strace $0x80000047;
	s26 =	sshll.u32 s6, $0xD;
	s7 =	sor.u32 s8, s7  }
0xd: {  	s24 =	ssub.s32 $0x2, s6;
	[dreg:$0x18] =	wrdreg s9;
	s0 =	sadd.s32 s0, s7  }
0xe: {  	s9 =	simm.s32 $0xA;
	s10 =	sadd.s32 s1, s7;
	[dreg:$0x7] =	wrdreg s0  }
0xf: {  	s8 =	sor.u32 s26, s25;
	s12 =	sadd.s32 s4, s7;
	[dreg:$0x8] =	wrdreg s10  }
0x10: {  	s26 =	sshrl.u32 s24, $0x1;
	s7 =	simm.s32 $0x100;
	[dreg:$0x9] =	wrdreg s12  }
0x11: {  	s11 =	sadd.s32 s8, s5;
	s8 =	simm.s32 $0x180;
	[dreg:$0x16] =	wrdreg s7  }
0x12: {  	s6 =	ssub.s32 s24, s26;
	s13 =	sadd.s32 $0x1600, s11;
	[dreg:$0x17] =	wrdreg s8  }
0x13: {  	s24 =	simm.s32 $0x400;
	s14 =	sadd.s32 $0x1E00, s11;
	[dreg:$0xa] =	wrdreg s13  }
0x14: {  	s26 =	simm.s32 $0xF;
	s15 =	sadd.s32 $0x2600, s11;
	[dreg:$0xb] =	wrdreg s14  }
0x15: {  	s5 =	simm.s32 $0xC800;
	s16 =	sadd.s32 $0x2E00, s11;
	[dreg:$0xc] =	wrdreg s15  }
0x16: {  	s4 =	simm.s32 $0x10800;
	s17 =	sadd.s32 $0x41600, s11;
	[dreg:$0xd] =	wrdreg s16  }
0x17: {  	s18 =	sadd.s32 $0x41E00, s11;
	s19 =	sadd.s32 $0x42600, s11;
	[dreg:$0xe] =	wrdreg s17  }
0x18: {  	s20 =	sadd.s32 $0x42E00, s11;
	s21 =	sadd.s32 $0x81600, s11;
	[dreg:$0xf] =	wrdreg s18  }
0x19: {  	s23 =	sadd.s32 $0x81E00, s11;
	s25 =	sadd.s32 $0x82600, s11;
	[dreg:$0x10] =	wrdreg s19  }
0x1a: {  	s1 =	sadd.s32 $0x82E00, s11;
	s0 =	smax.u32 s6, $0x1;
	[dreg:$0x11] =	wrdreg s20  }
0x1b: {  	s11 =	simm.s32 $0x4800;
	s6 =	simm.s32 $0x8800;
	[dreg:$0x12] =	wrdreg s21  }
0x1c: {  	s10 =	simm.s32 $0x300;
	s12 =	simm.s32 $0x380;
	[dreg:$0x13] =	wrdreg s23  }
0x1d: {  	s7 =	simm.s32 $0x8;
	s8 =	simm.s32 $0x9;
	[dreg:$0x14] =	wrdreg s25  }
0x1e: {  	[dreg:$0x15] =	wrdreg s1;
	s16 =	simm.s32 $0x80;
	s14 =	simm.s32 $0x800  }
0x1f: {  	s21 =	simm.s32 $0x1;
	s25 =	simm.s32 $0x14800;
	s20 =	simm.s32 $0x2  }
0x20: {  	[dreg:$0x19] =	wrdreg s10;
	s23 =	simm.s32 $0x18800;
	p1 =	sne.s32 s0, $0x1  }
.Ltmp0:
0x21: {  	s19 =	simm.s32 $0x3;
	[dreg:$0x1a] =	wrdreg s12;
	(pc) =	sbr.rel @!p1 .LBB2_5-.Ltmp0, $4  }
0x22: {  	s18 =	simm.s32 $0x4;
	s17 =	simm.s32 $0x5;
	s13 =	simm.s32 $0x480  }
0x23: {  	s15 =	simm.s32 $0x500;
	s0 =	sadd.s32 $0xFFFFFFFF, s0;
	s1 =	rddreg [dreg:$0x7]  }
0x24: {  	s12 =	simm.s32 $0xD;
	s10 =	simm.s32 $0xE;
	[dreg:$0x1b] =	wrdreg s13  }
0x25: {  	[dreg:$0x1c] =	wrdreg s15;
	s15 =	simm.s32 $0xB;
	s13 =	simm.s32 $0xC  }
0x26: {  	[tilespmem:s2], [sflag:$0xF] =	stream.linear.gather [hbm4b:s1+s2], $0x200, $0x38;
	[tilespmem:$0x1C800] =	vst v63  }
0x27: {  	s28 =	smov.u32 s0;
	s0 =	rddreg [dreg:$0x8]  }
0x28: {  	[tilespmem:s31], [sflag:$0xF] =	stream.linear.gather [hbm4b:s0+s2], $0x200, $0x38;
	[tilespmem:$0x1C800] =	vst v63  }
0x29: {  	s1 =	rddreg [dreg:$0x9]  }
0x2a: {  	[tilespmem:s24], [sflag:$0xF] =	stream.linear.gather [hbm4b:s1+s2], $0x200, $0x38;
	[tilespmem:$0x1C800] =	vst v63  }
0x2b: {  	_ =	swait.ge [sflag:s26], $0x200  }
0x2c: {  	[sflag:s26] =	ssyncset.done $0x0  }
0x2d: {  	[sflag:s26] =	ssyncadd.s32 $0xFFFFFE00  }
0x2e: {  	[tilespmem:s14], [sflag:$0x1] =	stream.indirect.gather [hbm4b:s22+s16], $0x80, s2, s16, $0xb8;
	[tilespmem:$0x1C800] =	vst v63  }
0x2f: {  	_ = 	snop  }
0x30: {  	[tilespmem:s11], [sflag:$0x2] =	stream.indirect.gather [hbm4b:s22+s16], $0x80, s16, s16, $0xb8;
	[tilespmem:$0x1C800] =	vst v63  }
0x31: {  	s0 =	rddreg [dreg:$0x16]  }
0x32: {  	[tilespmem:s6], [sflag:$0x3] =	stream.indirect.gather [hbm4b:s22+s16], $0x80, s0, s16, $0xb8;
	[tilespmem:$0x1C800] =	vst v63  }
0x33: {  	s1 =	rddreg [dreg:$0x17]  }
0x34: {  	[tilespmem:s5], [sflag:$0x4] =	stream.indirect.gather [hbm4b:s22+s16], $0x80, s1, s16, $0xb8;
	[tilespmem:$0x1C800] =	vst v63  }
0x35: {  	_ =	swait.ge [sflag:s26], $0x200  }
0x36: {  	[sflag:s26] =	ssyncset.done $0x0  }
0x37: {  	[sflag:s26] =	ssyncadd.s32 $0xFFFFFE00  }
0x38: {  	[tilespmem:s4], [sflag:$0x5] =	stream.indirect.gather [hbm4b:s3+s16], $0x80, s31, s16, $0xb8;
	[tilespmem:$0x1C800] =	vst v63  }
0x39: {  	_ =	swait.ge [sflag:s21], $0x4000  }
0x3a: {  	[sflag:s21] =	ssyncset.done $0x0  }
0x3b: {  	s0 =	rddreg [dreg:$0xa];
	[sflag:s21] =	ssyncadd.s32 $0xFFFFC000  }
0x3c: {  	[hbm4b:s0+s2] =	stream.linear.scatter [tilespmem:s14], [sflag:$0x8], $0x4000, $0x38;
	[tilespmem:$0x1C800] =	vst v63  }
0x3d: {  	s1 =	rddreg [dreg:$0x18]  }
0x3e: {  	[tilespmem:s25], [sflag:$0x6] =	stream.indirect.gather [hbm4b:s3+s16], $0x80, s1, s16, $0xb8;
	[tilespmem:$0x1C800] =	vst v63  }
0x3f: {  	_ =	swait.ge [sflag:s20], $0x4000  }
0x40: {  	[sflag:s20] =	ssyncset.done $0x0  }
0x41: {  	s0 =	rddreg [dreg:$0xb];
	[sflag:s20] =	ssyncadd.s32 $0xFFFFC000  }
0x42: {  	[hbm4b:s0+s2] =	stream.linear.scatter [tilespmem:s11], [sflag:$0x9], $0x4000, $0x38;
	[tilespmem:$0x1C800] =	vst v63  }
0x43: {  	s1 =	rddreg [dreg:$0x19]  }
0x44: {  	[tilespmem:s23], [sflag:$0x7] =	stream.indirect.gather [hbm4b:s3+s16], $0x80, s1, s16, $0xb8;
	[tilespmem:$0x1C800] =	vst v63  }
0x45: {  	_ =	swait.ge [sflag:s19], $0x4000  }
0x46: {  	[sflag:s19] =	ssyncset.done $0x0  }
0x47: {  	s1 =	rddreg [dreg:$0xc];
	[sflag:s19] =	ssyncadd.s32 $0xFFFFC000  }
0x48: {  	[hbm4b:s1+s2] =	stream.linear.scatter [tilespmem:s6], [sflag:$0xA], $0x4000, $0x38;
	[tilespmem:$0x1C800] =	vst v63  }
0x49: {  	_ =	swait.ge [sflag:s7], $0x4000  }
0x4a: {  	[sflag:s7] =	ssyncset.done $0x0  }
0x4b: {  	s1 =	rddreg [dreg:$0x1a];
	[sflag:s7] =	ssyncadd.s32 $0xFFFFC000  }
0x4c: {  	[tilespmem:s14], [sflag:$0x1] =	stream.indirect.gather [hbm4b:s3+s16], $0x80, s1, s16, $0xb8;
	[tilespmem:$0x1C800] =	vst v63  }
0x4d: {  	_ =	swait.ge [sflag:s18], $0x4000  }
0x4e: {  	[sflag:s18] =	ssyncset.done $0x0  }
0x4f: {  	s1 =	rddreg [dreg:$0xd];
	[sflag:s18] =	ssyncadd.s32 $0xFFFFC000  }
0x50: {  	[hbm4b:s1+s2] =	stream.linear.scatter [tilespmem:s5], [sflag:$0xB], $0x4000, $0x38;
	[tilespmem:$0x1C800] =	vst v63  }
0x51: {  	_ =	swait.ge [sflag:s26], $0x200  }
0x52: {  	[sflag:s26] =	ssyncset.done $0x0  }
0x53: {  	[sflag:s26] =	ssyncadd.s32 $0xFFFFFE00  }
0x54: {  	_ =	swait.ge [sflag:s8], $0x4000  }
0x55: {  	[sflag:s8] =	ssyncset.done $0x0  }
0x56: {  	[sflag:s8] =	ssyncadd.s32 $0xFFFFC000  }
0x57: {  	[tilespmem:s11], [sflag:$0x2] =	stream.indirect.gather [hbm4b:s3+s16], $0x80, s24, s16, $0xb8;
	[tilespmem:$0x1C800] =	vst v63  }
0x58: {  	_ =	swait.ge [sflag:s17], $0x4000  }
0x59: {  	[sflag:s17] =	ssyncset.done $0x0  }
0x5a: {  	s1 =	rddreg [dreg:$0xe];
	[sflag:s17] =	ssyncadd.s32 $0xFFFFC000  }
0x5b: {  	[hbm4b:s1+s2] =	stream.linear.scatter [tilespmem:s4], [sflag:$0xC], $0x4000, $0x38;
	[tilespmem:$0x1C800] =	vst v63  }
0x5c: {  	_ =	swait.ge [sflag:s9], $0x4000  }
0x5d: {  	[sflag:s9] =	ssyncset.done $0x0  }
0x5e: {  	s1 =	rddreg [dreg:$0x1b];
	[sflag:s9] =	ssyncadd.s32 $0xFFFFC000  }
0x5f: {  	[tilespmem:s6], [sflag:$0x3] =	stream.indirect.gather [hbm4b:s3+s16], $0x80, s1, s16, $0xb8;
	[tilespmem:$0x1C800] =	vst v63  }
0x60: {  	_ =	swait.ge [sflag:s30], $0x4000  }
0x61: {  	[sflag:s30] =	ssyncset.done $0x0  }
0x62: {  	s1 =	rddreg [dreg:$0xf];
	[sflag:s30] =	ssyncadd.s32 $0xFFFFC000  }
0x63: {  	[hbm4b:s1+s2] =	stream.linear.scatter [tilespmem:s25], [sflag:$0xD], $0x4000, $0x38;
	[tilespmem:$0x1C800] =	vst v63  }
0x64: {  	_ =	swait.ge [sflag:s15], $0x4000  }
0x65: {  	[sflag:s15] =	ssyncset.done $0x0  }
0x66: {  	s1 =	rddreg [dreg:$0x1c];
	[sflag:s15] =	ssyncadd.s32 $0xFFFFC000  }
0x67: {  	[tilespmem:s5], [sflag:$0x4] =	stream.indirect.gather [hbm4b:s3+s16], $0x80, s1, s16, $0xb8;
	[tilespmem:$0x1C800] =	vst v63  }
0x68: {  	_ =	swait.ge [sflag:s29], $0x4000  }
0x69: {  	[sflag:s29] =	ssyncset.done $0x0  }
0x6a: {  	s1 =	rddreg [dreg:$0x10];
	[sflag:s29] =	ssyncadd.s32 $0xFFFFC000  }
0x6b: {  	[hbm4b:s1+s2] =	stream.linear.scatter [tilespmem:s23], [sflag:$0xE], $0x4000, $0x38;
	[tilespmem:$0x1C800] =	vst v63  }
0x6c: {  	_ =	swait.ge [sflag:s13], $0x4000  }
0x6d: {  	[sflag:s13] =	ssyncset.done $0x0  }
0x6e: {  	s1 =	simm.s32 $0x580;
	[sflag:s13] =	ssyncadd.s32 $0xFFFFC000  }
0x6f: {  	[tilespmem:s4], [sflag:$0x5] =	stream.indirect.gather [hbm4b:s3+s16], $0x80, s1, s16, $0xb8;
	[tilespmem:$0x1C800] =	vst v63  }
0x70: {  	_ =	swait.ge [sflag:s21], $0x4000  }
0x71: {  	[sflag:s21] =	ssyncset.done $0x0  }
0x72: {  	s1 =	rddreg [dreg:$0x11];
	[sflag:s21] =	ssyncadd.s32 $0xFFFFC000  }
0x73: {  	[hbm4b:s1+s2] =	stream.linear.scatter [tilespmem:s14], [sflag:$0x8], $0x4000, $0x38;
	[tilespmem:$0x1C800] =	vst v63  }
0x74: {  	_ =	swait.ge [sflag:s20], $0x4000  }
0x75: {  	[sflag:s20] =	ssyncset.done $0x0  }
0x76: {  	s1 =	rddreg [dreg:$0x12];
	[sflag:s20] =	ssyncadd.s32 $0xFFFFC000  }
0x77: {  	[hbm4b:s1+s2] =	stream.linear.scatter [tilespmem:s11], [sflag:$0x9], $0x4000, $0x38;
	[tilespmem:$0x1C800] =	vst v63  }
0x78: {  	_ =	swait.ge [sflag:s19], $0x4000  }
0x79: {  	[sflag:s19] =	ssyncset.done $0x0  }
0x7a: {  	s1 =	rddreg [dreg:$0x13];
	[sflag:s19] =	ssyncadd.s32 $0xFFFFC000  }
0x7b: {  	[hbm4b:s1+s2] =	stream.linear.scatter [tilespmem:s6], [sflag:$0xA], $0x4000, $0x38;
	[tilespmem:$0x1C800] =	vst v63  }
0x7c: {  	_ =	swait.ge [sflag:s18], $0x4000  }
0x7d: {  	[sflag:s18] =	ssyncset.done $0x0  }
0x7e: {  	s1 =	rddreg [dreg:$0x14];
	[sflag:s18] =	ssyncadd.s32 $0xFFFFC000  }
0x7f: {  	[hbm4b:s1+s2] =	stream.linear.scatter [tilespmem:s5], [sflag:$0xB], $0x4000, $0x38;
	[tilespmem:$0x1C800] =	vst v63  }
0x80: {  	_ =	swait.ge [sflag:s17], $0x4000  }
0x81: {  	[sflag:s17] =	ssyncset.done $0x0  }
0x82: {  	s1 =	rddreg [dreg:$0x15];
	[sflag:s17] =	ssyncadd.s32 $0xFFFFC000  }
0x83: {  	[hbm4b:s1+s2] =	stream.linear.scatter [tilespmem:s4], [sflag:$0xC], $0x4000, $0x38;
	[tilespmem:$0x1C800] =	vst v63  }
0x84: {  	_ =	swait.ge [sflag:s7], $0x4000  }
0x85: {  	[sflag:s7] =	ssyncset.done $0x0  }
0x86: {  	[sflag:s7] =	ssyncadd.s32 $0xFFFFC000  }
0x87: {  	_ =	swait.ge [sflag:s8], $0x4000  }
0x88: {  	[sflag:s8] =	ssyncset.done $0x0  }
0x89: {  	[sflag:s8] =	ssyncadd.s32 $0xFFFFC000  }
0x8a: {  	_ =	swait.ge [sflag:s9], $0x4000  }
0x8b: {  	[sflag:s9] =	ssyncset.done $0x0  }
0x8c: {  	[sflag:s9] =	ssyncadd.s32 $0xFFFFC000  }
0x8d: {  	_ =	swait.ge [sflag:s15], $0x4000  }
0x8e: {  	[sflag:s15] =	ssyncset.done $0x0  }
0x8f: {  	[sflag:s15] =	ssyncadd.s32 $0xFFFFC000  }
0x90: {  	_ =	swait.ge [sflag:s13], $0x4000  }
0x91: {  	[sflag:s13] =	ssyncset.done $0x0  }
0x92: {  	p1 =	sne.s32 s28, $0x1;
	[sflag:s13] =	ssyncadd.s32 $0xFFFFC000  }
.Ltmp1:
0x93: {  	_ =	swait.ge [sflag:s12], $0x4000;
	(pc) =	sbr.rel @!p1 .LBB2_2-.Ltmp1, $4  }
0x94: {  	[sflag:s12] =	ssyncset.done $0x0  }
0x95: {  	[sflag:s12] =	ssyncadd.s32 $0xFFFFC000  }
0x96: {  	p0 =	por $0x1, $0x1;
	_ =	swait.ge [sflag:s10], $0x4000  }
0x97: {  	s0 =	sadd.s32 $0xFFFFFFFF, s28;
	s1 =	rddreg [dreg:$0x7];
	[sflag:s10] =	ssyncset.done $0x0  }
.LBB2_3:
0x98: {  	[sflag:s10] =	ssyncadd.s32 $0xFFFFC000  }
0x99: {  	[tilespmem:s2], [sflag:$0xF] =	stream.linear.gather [hbm4b:s1+s2], $0x200, $0x38;
	[tilespmem:$0x1C800] =	vst v63  }
0x9a: {  	s28 =	rddreg [dreg:$0x8]  }
0x9b: {  	[tilespmem:s31], [sflag:$0xF] =	stream.linear.gather [hbm4b:s28+s2], $0x200, $0x38;
	[tilespmem:$0x1C800] =	vst v63  }
0x9c: {  	s1 =	rddreg [dreg:$0x9]  }
0x9d: {  	[tilespmem:s24], [sflag:$0xF] =	stream.linear.gather [hbm4b:s1+s2], $0x200, $0x38;
	[tilespmem:$0x1C800] =	vst v63  }
0x9e: {  	_ =	swait.ge [sflag:s26], $0x200  }
0x9f: {  	[sflag:s26] =	ssyncset.done $0x0  }
0xa0: {  	[sflag:s26] =	ssyncadd.s32 $0xFFFFFE00  }
0xa1: {  	[tilespmem:s14], [sflag:$0x1] =	stream.indirect.gather [hbm4b:s22+s16], $0x80, s2, s16, $0xb8;
	[tilespmem:$0x1C800] =	vst v63  }
0xa2: {  	_ = 	snop  }
0xa3: {  	[tilespmem:s11], [sflag:$0x2] =	stream.indirect.gather [hbm4b:s22+s16], $0x80, s16, s16, $0xb8;
	[tilespmem:$0x1C800] =	vst v63  }
0xa4: {  	s1 =	rddreg [dreg:$0x16]  }
0xa5: {  	[tilespmem:s6], [sflag:$0x3] =	stream.indirect.gather [hbm4b:s22+s16], $0x80, s1, s16, $0xb8;
	[tilespmem:$0x1C800] =	vst v63  }
0xa6: {  	s28 =	rddreg [dreg:$0x17]  }
0xa7: {  	[tilespmem:s5], [sflag:$0x4] =	stream.indirect.gather [hbm4b:s22+s16], $0x80, s28, s16, $0xb8;
	[tilespmem:$0x1C800] =	vst v63  }
0xa8: {  	_ =	swait.ge [sflag:s26], $0x200  }
0xa9: {  	[sflag:s26] =	ssyncset.done $0x0  }
0xaa: {  	[sflag:s26] =	ssyncadd.s32 $0xFFFFFE00  }
0xab: {  	[tilespmem:s4], [sflag:$0x5] =	stream.indirect.gather [hbm4b:s3+s16], $0x80, s31, s16, $0xb8;
	[tilespmem:$0x1C800] =	vst v63  }
0xac: {  	_ =	swait.ge [sflag:s21], $0x4000  }
0xad: {  	[sflag:s21] =	ssyncset.done $0x0  }
0xae: {  	s1 =	rddreg [dreg:$0xa];
	[sflag:s21] =	ssyncadd.s32 $0xFFFFC000  }
0xaf: {  	[hbm4b:s1+s2] =	stream.linear.scatter [tilespmem:s14], [sflag:$0x8], $0x4000, $0x38;
	[tilespmem:$0x1C800] =	vst v63  }
0xb0: {  	s28 =	rddreg [dreg:$0x18]  }
0xb1: {  	[tilespmem:s25], [sflag:$0x6] =	stream.indirect.gather [hbm4b:s3+s16], $0x80, s28, s16, $0xb8;
	[tilespmem:$0x1C800] =	vst v63  }
0xb2: {  	_ =	swait.ge [sflag:s20], $0x4000  }
0xb3: {  	[sflag:s20] =	ssyncset.done $0x0  }
0xb4: {  	s1 =	rddreg [dreg:$0xb];
	[sflag:s20] =	ssyncadd.s32 $0xFFFFC000  }
0xb5: {  	[hbm4b:s1+s2] =	stream.linear.scatter [tilespmem:s11], [sflag:$0x9], $0x4000, $0x38;
	[tilespmem:$0x1C800] =	vst v63  }
0xb6: {  	s28 =	rddreg [dreg:$0x19]  }
0xb7: {  	[tilespmem:s23], [sflag:$0x7] =	stream.indirect.gather [hbm4b:s3+s16], $0x80, s28, s16, $0xb8;
	[tilespmem:$0x1C800] =	vst v63  }
0xb8: {  	_ =	swait.ge [sflag:s19], $0x4000  }
0xb9: {  	[sflag:s19] =	ssyncset.done $0x0  }
0xba: {  	s28 =	rddreg [dreg:$0xc];
	[sflag:s19] =	ssyncadd.s32 $0xFFFFC000  }
0xbb: {  	[hbm4b:s28+s2] =	stream.linear.scatter [tilespmem:s6], [sflag:$0xA], $0x4000, $0x38;
	[tilespmem:$0x1C800] =	vst v63  }
0xbc: {  	_ =	swait.ge [sflag:s7], $0x4000  }
0xbd: {  	[sflag:s7] =	ssyncset.done $0x0  }
0xbe: {  	s28 =	rddreg [dreg:$0x1a];
	[sflag:s7] =	ssyncadd.s32 $0xFFFFC000  }
0xbf: {  	[tilespmem:s14], [sflag:$0x1] =	stream.indirect.gather [hbm4b:s3+s16], $0x80, s28, s16, $0xb8;
	[tilespmem:$0x1C800] =	vst v63  }
0xc0: {  	_ =	swait.ge [sflag:s18], $0x4000  }
0xc1: {  	[sflag:s18] =	ssyncset.done $0x0  }
0xc2: {  	s28 =	rddreg [dreg:$0xd];
	[sflag:s18] =	ssyncadd.s32 $0xFFFFC000  }
0xc3: {  	[hbm4b:s28+s2] =	stream.linear.scatter [tilespmem:s5], [sflag:$0xB], $0x4000, $0x38;
	[tilespmem:$0x1C800] =	vst v63  }
0xc4: {  	_ =	swait.ge [sflag:s26], $0x200  }
0xc5: {  	[sflag:s26] =	ssyncset.done $0x0  }
0xc6: {  	[sflag:s26] =	ssyncadd.s32 $0xFFFFFE00  }
0xc7: {  	_ =	swait.ge [sflag:s8], $0x4000  }
0xc8: {  	[sflag:s8] =	ssyncset.done $0x0  }
0xc9: {  	[sflag:s8] =	ssyncadd.s32 $0xFFFFC000  }
0xca: {  	[tilespmem:s11], [sflag:$0x2] =	stream.indirect.gather [hbm4b:s3+s16], $0x80, s24, s16, $0xb8;
	[tilespmem:$0x1C800] =	vst v63  }
0xcb: {  	_ =	swait.ge [sflag:s17], $0x4000  }
0xcc: {  	[sflag:s17] =	ssyncset.done $0x0  }
0xcd: {  	s28 =	rddreg [dreg:$0xe];
	[sflag:s17] =	ssyncadd.s32 $0xFFFFC000  }
0xce: {  	[hbm4b:s28+s2] =	stream.linear.scatter [tilespmem:s4], [sflag:$0xC], $0x4000, $0x38;
	[tilespmem:$0x1C800] =	vst v63  }
0xcf: {  	_ =	swait.ge [sflag:s9], $0x4000  }
0xd0: {  	[sflag:s9] =	ssyncset.done $0x0  }
0xd1: {  	s28 =	rddreg [dreg:$0x1b];
	[sflag:s9] =	ssyncadd.s32 $0xFFFFC000  }
0xd2: {  	[tilespmem:s6], [sflag:$0x3] =	stream.indirect.gather [hbm4b:s3+s16], $0x80, s28, s16, $0xb8;
	[tilespmem:$0x1C800] =	vst v63  }
0xd3: {  	_ =	swait.ge [sflag:s30], $0x4000  }
0xd4: {  	[sflag:s30] =	ssyncset.done $0x0  }
0xd5: {  	s28 =	rddreg [dreg:$0xf];
	[sflag:s30] =	ssyncadd.s32 $0xFFFFC000  }
0xd6: {  	[hbm4b:s28+s2] =	stream.linear.scatter [tilespmem:s25], [sflag:$0xD], $0x4000, $0x38;
	[tilespmem:$0x1C800] =	vst v63  }
0xd7: {  	_ =	swait.ge [sflag:s15], $0x4000  }
0xd8: {  	[sflag:s15] =	ssyncset.done $0x0  }
0xd9: {  	s28 =	rddreg [dreg:$0x1c];
	[sflag:s15] =	ssyncadd.s32 $0xFFFFC000  }
0xda: {  	[tilespmem:s5], [sflag:$0x4] =	stream.indirect.gather [hbm4b:s3+s16], $0x80, s28, s16, $0xb8;
	[tilespmem:$0x1C800] =	vst v63  }
0xdb: {  	_ =	swait.ge [sflag:s29], $0x4000  }
0xdc: {  	[sflag:s29] =	ssyncset.done $0x0  }
0xdd: {  	s28 =	rddreg [dreg:$0x10];
	[sflag:s29] =	ssyncadd.s32 $0xFFFFC000  }
0xde: {  	[hbm4b:s28+s2] =	stream.linear.scatter [tilespmem:s23], [sflag:$0xE], $0x4000, $0x38;
	[tilespmem:$0x1C800] =	vst v63  }
0xdf: {  	_ =	swait.ge [sflag:s13], $0x4000  }
0xe0: {  	[sflag:s13] =	ssyncset.done $0x0  }
0xe1: {  	s28 =	simm.s32 $0x580;
	[sflag:s13] =	ssyncadd.s32 $0xFFFFC000  }
0xe2: {  	[tilespmem:s4], [sflag:$0x5] =	stream.indirect.gather [hbm4b:s3+s16], $0x80, s28, s16, $0xb8;
	[tilespmem:$0x1C800] =	vst v63  }
0xe3: {  	_ =	swait.ge [sflag:s21], $0x4000  }
0xe4: {  	[sflag:s21] =	ssyncset.done $0x0  }
0xe5: {  	s28 =	rddreg [dreg:$0x11];
	[sflag:s21] =	ssyncadd.s32 $0xFFFFC000  }
0xe6: {  	[hbm4b:s28+s2] =	stream.linear.scatter [tilespmem:s14], [sflag:$0x8], $0x4000, $0x38;
	[tilespmem:$0x1C800] =	vst v63  }
0xe7: {  	_ =	swait.ge [sflag:s20], $0x4000  }
0xe8: {  	[sflag:s20] =	ssyncset.done $0x0  }
0xe9: {  	s28 =	rddreg [dreg:$0x12];
	[sflag:s20] =	ssyncadd.s32 $0xFFFFC000  }
0xea: {  	[hbm4b:s28+s2] =	stream.linear.scatter [tilespmem:s11], [sflag:$0x9], $0x4000, $0x38;
	[tilespmem:$0x1C800] =	vst v63  }
0xeb: {  	_ =	swait.ge [sflag:s19], $0x4000  }
0xec: {  	[sflag:s19] =	ssyncset.done $0x0  }
0xed: {  	s28 =	rddreg [dreg:$0x13];
	[sflag:s19] =	ssyncadd.s32 $0xFFFFC000  }
0xee: {  	[hbm4b:s28+s2] =	stream.linear.scatter [tilespmem:s6], [sflag:$0xA], $0x4000, $0x38;
	[tilespmem:$0x1C800] =	vst v63  }
0xef: {  	_ =	swait.ge [sflag:s18], $0x4000  }
0xf0: {  	[sflag:s18] =	ssyncset.done $0x0  }
0xf1: {  	s28 =	rddreg [dreg:$0x14];
	[sflag:s18] =	ssyncadd.s32 $0xFFFFC000  }
0xf2: {  	[hbm4b:s28+s2] =	stream.linear.scatter [tilespmem:s5], [sflag:$0xB], $0x4000, $0x38;
	[tilespmem:$0x1C800] =	vst v63  }
0xf3: {  	_ =	swait.ge [sflag:s17], $0x4000  }
0xf4: {  	[sflag:s17] =	ssyncset.done $0x0  }
0xf5: {  	s28 =	rddreg [dreg:$0x15];
	[sflag:s17] =	ssyncadd.s32 $0xFFFFC000  }
0xf6: {  	[hbm4b:s28+s2] =	stream.linear.scatter [tilespmem:s4], [sflag:$0xC], $0x4000, $0x38;
	[tilespmem:$0x1C800] =	vst v63  }
0xf7: {  	_ =	swait.ge [sflag:s7], $0x4000  }
0xf8: {  	[sflag:s7] =	ssyncset.done $0x0  }
0xf9: {  	[sflag:s7] =	ssyncadd.s32 $0xFFFFC000  }
0xfa: {  	_ =	swait.ge [sflag:s8], $0x4000  }
0xfb: {  	[sflag:s8] =	ssyncset.done $0x0  }
0xfc: {  	[sflag:s8] =	ssyncadd.s32 $0xFFFFC000  }
0xfd: {  	_ =	swait.ge [sflag:s9], $0x4000  }
0xfe: {  	[sflag:s9] =	ssyncset.done $0x0  }
0xff: {  	[sflag:s9] =	ssyncadd.s32 $0xFFFFC000  }
0x100: {  	_ =	swait.ge [sflag:s15], $0x4000  }
0x101: {  	[sflag:s15] =	ssyncset.done $0x0  }
0x102: {  	[sflag:s15] =	ssyncadd.s32 $0xFFFFC000  }
0x103: {  	_ =	swait.ge [sflag:s13], $0x4000  }
0x104: {  	[sflag:s13] =	ssyncset.done $0x0  }
0x105: {  	p1 =	sne.s32 s0, $0x1;
	[sflag:s13] =	ssyncadd.s32 $0xFFFFC000  }
.Ltmp2:
0x106: {  	_ =	swait.ge [sflag:s12], $0x4000;
	(pc) =	sbr.rel @p1 .LBB2_3-.Ltmp2, $4  }
0x107: {  	[sflag:s12] =	ssyncset.done $0x0  }
0x108: {  	[sflag:s12] =	ssyncadd.s32 $0xFFFFC000  }
0x109: {  	_ =	swait.ge [sflag:s10], $0x4000  }
0x10a: {  	s0 =	sadd.s32 $0xFFFFFFFF, s0;
	s1 =	rddreg [dreg:$0x7];
	[sflag:s10] =	ssyncset.done $0x0  }
0x10b: {  	s28 =	rddreg [dreg:$0x6]  }
.LBB2_5:
0x10c: {  	[sflag:s10] =	ssyncadd.s32 @p0 $0xFFFFC000  }
0x10d: {  	[tilespmem:s2], [sflag:$0xF] =	stream.linear.gather [hbm4b:s1+s2], $0x200, $0x38;
	[tilespmem:$0x1C800] =	vst v63  }
0x10e: {  	s0 =	rddreg [dreg:$0x8]  }
0x10f: {  	[tilespmem:s31], [sflag:$0xF] =	stream.linear.gather [hbm4b:s0+s2], $0x200, $0x38;
	[tilespmem:$0x1C800] =	vst v63  }
0x110: {  	s1 =	rddreg [dreg:$0x9]  }
0x111: {  	[tilespmem:s24], [sflag:$0xF] =	stream.linear.gather [hbm4b:s1+s2], $0x200, $0x38;
	[tilespmem:$0x1C800] =	vst v63  }
0x112: {  	_ =	swait.ge [sflag:s26], $0x200  }
0x113: {  	[sflag:s26] =	ssyncset.done $0x0  }
0x114: {  	[sflag:s26] =	ssyncadd.s32 $0xFFFFFE00  }
0x115: {  	[tilespmem:s14], [sflag:$0x1] =	stream.indirect.gather [hbm4b:s22+s16], $0x80, s2, s16, $0xb8;
	[tilespmem:$0x1C800] =	vst v63  }
0x116: {  	_ = 	snop  }
0x117: {  	[tilespmem:s11], [sflag:$0x2] =	stream.indirect.gather [hbm4b:s22+s16], $0x80, s16, s16, $0xb8;
	[tilespmem:$0x1C800] =	vst v63  }
0x118: {  	s0 =	rddreg [dreg:$0x16]  }
0x119: {  	[tilespmem:s6], [sflag:$0x3] =	stream.indirect.gather [hbm4b:s22+s16], $0x80, s0, s16, $0xb8;
	[tilespmem:$0x1C800] =	vst v63  }
0x11a: {  	s1 =	rddreg [dreg:$0x17]  }
0x11b: {  	[tilespmem:s5], [sflag:$0x4] =	stream.indirect.gather [hbm4b:s22+s16], $0x80, s1, s16, $0xb8;
	[tilespmem:$0x1C800] =	vst v63  }
0x11c: {  	_ =	swait.ge [sflag:s26], $0x200  }
0x11d: {  	[sflag:s26] =	ssyncset.done $0x0  }
0x11e: {  	[sflag:s26] =	ssyncadd.s32 $0xFFFFFE00  }
0x11f: {  	[tilespmem:s4], [sflag:$0x5] =	stream.indirect.gather [hbm4b:s3+s16], $0x80, s31, s16, $0xb8;
	[tilespmem:$0x1C800] =	vst v63  }
0x120: {  	_ =	swait.ge [sflag:s21], $0x4000  }
0x121: {  	[sflag:s21] =	ssyncset.done $0x0  }
0x122: {  	s22 =	rddreg [dreg:$0xa];
	[sflag:s21] =	ssyncadd.s32 $0xFFFFC000  }
0x123: {  	[hbm4b:s22+s2] =	stream.linear.scatter [tilespmem:s14], [sflag:$0x8], $0x4000, $0x38;
	[tilespmem:$0x1C800] =	vst v63  }
0x124: {  	s31 =	rddreg [dreg:$0x18]  }
0x125: {  	[tilespmem:s25], [sflag:$0x6] =	stream.indirect.gather [hbm4b:s3+s16], $0x80, s31, s16, $0xb8;
	[tilespmem:$0x1C800] =	vst v63  }
0x126: {  	_ =	swait.ge [sflag:s20], $0x4000  }
0x127: {  	[sflag:s20] =	ssyncset.done $0x0  }
0x128: {  	s1 =	rddreg [dreg:$0xb];
	[sflag:s20] =	ssyncadd.s32 $0xFFFFC000  }
0x129: {  	[hbm4b:s1+s2] =	stream.linear.scatter [tilespmem:s11], [sflag:$0x9], $0x4000, $0x38;
	[tilespmem:$0x1C800] =	vst v63  }
0x12a: {  	s22 =	rddreg [dreg:$0x19]  }
0x12b: {  	[tilespmem:s23], [sflag:$0x7] =	stream.indirect.gather [hbm4b:s3+s16], $0x80, s22, s16, $0xb8;
	[tilespmem:$0x1C800] =	vst v63  }
0x12c: {  	_ =	swait.ge [sflag:s19], $0x4000  }
0x12d: {  	[sflag:s19] =	ssyncset.done $0x0  }
0x12e: {  	s31 =	rddreg [dreg:$0xc];
	[sflag:s19] =	ssyncadd.s32 $0xFFFFC000  }
0x12f: {  	[hbm4b:s31+s2] =	stream.linear.scatter [tilespmem:s6], [sflag:$0xA], $0x4000, $0x38;
	[tilespmem:$0x1C800] =	vst v63  }
0x130: {  	_ =	swait.ge [sflag:s7], $0x4000  }
0x131: {  	[sflag:s7] =	ssyncset.done $0x0  }
0x132: {  	s1 =	rddreg [dreg:$0x1a];
	[sflag:s7] =	ssyncadd.s32 $0xFFFFC000  }
0x133: {  	[tilespmem:s14], [sflag:$0x1] =	stream.indirect.gather [hbm4b:s3+s16], $0x80, s1, s16, $0xb8;
	[tilespmem:$0x1C800] =	vst v63  }
0x134: {  	_ =	swait.ge [sflag:s18], $0x4000  }
0x135: {  	[sflag:s18] =	ssyncset.done $0x0  }
0x136: {  	s22 =	rddreg [dreg:$0xd];
	[sflag:s18] =	ssyncadd.s32 $0xFFFFC000  }
0x137: {  	[hbm4b:s22+s2] =	stream.linear.scatter [tilespmem:s5], [sflag:$0xB], $0x4000, $0x38;
	[tilespmem:$0x1C800] =	vst v63  }
0x138: {  	_ =	swait.ge [sflag:s26], $0x200  }
0x139: {  	[sflag:s26] =	ssyncset.done $0x0  }
0x13a: {  	[sflag:s26] =	ssyncadd.s32 $0xFFFFFE00  }
0x13b: {  	_ =	swait.ge [sflag:s8], $0x4000  }
0x13c: {  	[sflag:s8] =	ssyncset.done $0x0  }
0x13d: {  	[sflag:s8] =	ssyncadd.s32 $0xFFFFC000  }
0x13e: {  	[tilespmem:s11], [sflag:$0x2] =	stream.indirect.gather [hbm4b:s3+s16], $0x80, s24, s16, $0xb8;
	[tilespmem:$0x1C800] =	vst v63  }
0x13f: {  	_ =	swait.ge [sflag:s17], $0x4000  }
0x140: {  	[sflag:s17] =	ssyncset.done $0x0  }
0x141: {  	s24 =	rddreg [dreg:$0xe];
	[sflag:s17] =	ssyncadd.s32 $0xFFFFC000  }
0x142: {  	[hbm4b:s24+s2] =	stream.linear.scatter [tilespmem:s4], [sflag:$0xC], $0x4000, $0x38;
	[tilespmem:$0x1C800] =	vst v63  }
0x143: {  	_ =	swait.ge [sflag:s9], $0x4000  }
0x144: {  	[sflag:s9] =	ssyncset.done $0x0  }
0x145: {  	s26 =	rddreg [dreg:$0x1b];
	[sflag:s9] =	ssyncadd.s32 $0xFFFFC000  }
0x146: {  	[tilespmem:s6], [sflag:$0x3] =	stream.indirect.gather [hbm4b:s3+s16], $0x80, s26, s16, $0xb8;
	[tilespmem:$0x1C800] =	vst v63  }
0x147: {  	_ =	swait.ge [sflag:s30], $0x4000  }
0x148: {  	[sflag:s30] =	ssyncset.done $0x0  }
0x149: {  	s31 =	rddreg [dreg:$0xf];
	[sflag:s30] =	ssyncadd.s32 $0xFFFFC000  }
0x14a: {  	[hbm4b:s31+s2] =	stream.linear.scatter [tilespmem:s25], [sflag:$0xD], $0x4000, $0x38;
	[tilespmem:$0x1C800] =	vst v63  }
0x14b: {  	_ =	swait.ge [sflag:s15], $0x4000  }
0x14c: {  	[sflag:s15] =	ssyncset.done $0x0  }
0x14d: {  	s1 =	rddreg [dreg:$0x1c];
	[sflag:s15] =	ssyncadd.s32 $0xFFFFC000  }
0x14e: {  	[tilespmem:s5], [sflag:$0x4] =	stream.indirect.gather [hbm4b:s3+s16], $0x80, s1, s16, $0xb8;
	[tilespmem:$0x1C800] =	vst v63  }
0x14f: {  	_ =	swait.ge [sflag:s29], $0x4000  }
0x150: {  	[sflag:s29] =	ssyncset.done $0x0  }
0x151: {  	s22 =	rddreg [dreg:$0x10];
	[sflag:s29] =	ssyncadd.s32 $0xFFFFC000  }
0x152: {  	[hbm4b:s22+s2] =	stream.linear.scatter [tilespmem:s23], [sflag:$0xE], $0x4000, $0x38;
	[tilespmem:$0x1C800] =	vst v63  }
0x153: {  	_ =	swait.ge [sflag:s13], $0x4000  }
0x154: {  	[sflag:s13] =	ssyncset.done $0x0  }
0x155: {  	s23 =	simm.s32 $0x580;
	[sflag:s13] =	ssyncadd.s32 $0xFFFFC000  }
0x156: {  	[tilespmem:s4], [sflag:$0x5] =	stream.indirect.gather [hbm4b:s3+s16], $0x80, s23, s16, $0xb8;
	[tilespmem:$0x1C800] =	vst v63  }
0x157: {  	_ =	swait.ge [sflag:s21], $0x4000  }
0x158: {  	[sflag:s21] =	ssyncset.done $0x0  }
0x159: {  	s24 =	rddreg [dreg:$0x11];
	[sflag:s21] =	ssyncadd.s32 $0xFFFFC000  }
0x15a: {  	[hbm4b:s24+s2] =	stream.linear.scatter [tilespmem:s14], [sflag:$0x8], $0x4000, $0x38;
	[tilespmem:$0x1C800] =	vst v63  }
0x15b: {  	_ =	swait.ge [sflag:s20], $0x4000  }
0x15c: {  	[sflag:s20] =	ssyncset.done $0x0  }
0x15d: {  	s25 =	rddreg [dreg:$0x12];
	[sflag:s20] =	ssyncadd.s32 $0xFFFFC000  }
0x15e: {  	[hbm4b:s25+s2] =	stream.linear.scatter [tilespmem:s11], [sflag:$0x9], $0x4000, $0x38;
	[tilespmem:$0x1C800] =	vst v63  }
0x15f: {  	_ =	swait.ge [sflag:s19], $0x4000  }
0x160: {  	[sflag:s19] =	ssyncset.done $0x0  }
0x161: {  	s26 =	rddreg [dreg:$0x13];
	[sflag:s19] =	ssyncadd.s32 $0xFFFFC000  }
0x162: {  	[hbm4b:s26+s2] =	stream.linear.scatter [tilespmem:s6], [sflag:$0xA], $0x4000, $0x38;
	[tilespmem:$0x1C800] =	vst v63  }
0x163: {  	_ =	swait.ge [sflag:s18], $0x4000  }
0x164: {  	[sflag:s18] =	ssyncset.done $0x0  }
0x165: {  	s29 =	rddreg [dreg:$0x14];
	[sflag:s18] =	ssyncadd.s32 $0xFFFFC000  }
0x166: {  	[hbm4b:s29+s2] =	stream.linear.scatter [tilespmem:s5], [sflag:$0xB], $0x4000, $0x38;
	[tilespmem:$0x1C800] =	vst v63  }
0x167: {  	_ =	swait.ge [sflag:s17], $0x4000  }
0x168: {  	[sflag:s17] =	ssyncset.done $0x0  }
0x169: {  	s30 =	rddreg [dreg:$0x15];
	[sflag:s17] =	ssyncadd.s32 $0xFFFFC000  }
0x16a: {  	[hbm4b:s30+s2] =	stream.linear.scatter [tilespmem:s4], [sflag:$0xC], $0x4000, $0x38;
	[tilespmem:$0x1C800] =	vst v63  }
0x16b: {  	_ =	swait.ge [sflag:s7], $0x4000  }
0x16c: {  	[sflag:s7] =	ssyncset.done $0x0  }
0x16d: {  	[sflag:s7] =	ssyncadd.s32 $0xFFFFC000  }
0x16e: {  	_ =	swait.ge [sflag:s8], $0x4000  }
0x16f: {  	[sflag:s8] =	ssyncset.done $0x0  }
0x170: {  	[sflag:s8] =	ssyncadd.s32 $0xFFFFC000  }
0x171: {  	_ =	swait.ge [sflag:s9], $0x4000  }
0x172: {  	[sflag:s9] =	ssyncset.done $0x0  }
0x173: {  	[sflag:s9] =	ssyncadd.s32 $0xFFFFC000  }
0x174: {  	_ =	swait.ge [sflag:s15], $0x4000  }
0x175: {  	[sflag:s15] =	ssyncset.done $0x0  }
0x176: {  	[sflag:s15] =	ssyncadd.s32 $0xFFFFC000  }
0x177: {  	_ =	swait.ge [sflag:s13], $0x4000  }
0x178: {  	[sflag:s13] =	ssyncset.done $0x0  }
0x179: {  	[sflag:s13] =	ssyncadd.s32 $0xFFFFC000  }
0x17a: {  	_ =	swait.ge [sflag:s12], $0x4000  }
0x17b: {  	[sflag:s12] =	ssyncset.done $0x0  }
0x17c: {  	[sflag:s12] =	ssyncadd.s32 $0xFFFFC000  }
0x17d: {  	_ =	swait.ge [sflag:s10], $0x4000  }
0x17e: {  	[sflag:s10] =	ssyncset.done $0x0  }
0x17f: {  	[sflag:s10] =	ssyncadd.s32 $0xFFFFC000  }
0x180: {  	_ =	sfence.sel $0x180000  }
0x181: {  	s31 =	stileid.u32;
	[bflag:$0x0] =	sbarrier.arrive $0xFFFF  }
0x182: {  	p0 =	sne.s32 s31, $0x0;
	_ =	strace $0x90000047  }
0x183: {  	s0 =	sadd.s32 @!p0 $0x100000, s28;
	[bflag:$0x2] =	sbarrier.arrive $0xFFFF  }
0x184: {  	[sflag:s0] =	ssyncadd.tile.s32 @!p0 $0x1;
	_ =	shalt  }
.LBB2_2:
.Ltmp3:
0x185: {  	(pc) =	sbr.rel .LBB2_5-.Ltmp3, $2  }
0x186: {  	_ =	sdelay $0x2  }
0x187: {  	s28 =	rddreg [dreg:$0x6]  }
.Lfunc_end2:
_tile_overlayer_lowered:
.L_overlay_start_2:
0x188: {  	(tag) =	ssettag $0x2  }
0x189: {  	s0 =	rddreg [dreg:$0x0];
	s2 =	stileid.u32  }
0x18a: {  	s1 =	rddreg [dreg:$0x1];
	p0 =	sne.s32 s2, $0x0  }
0x18b: {  	s3 =	rddreg [dreg:$0x2];
	[bflag:$0x3] =	sbarrier.arrive $0xFFFF;
	s2 =	simm.s32 @!p0 $0x1C10  }
0x18c: {  	[timem:s3], [sflag:s2] =	dma.local @!p0 [hbm:s0], s1  }
0x18d: {  	s0 =	simm.s32 @!p0 $0x10  }
0x18e: {  	_ =	swait.ge @!p0 [sflag:s0], s1  }
0x18f: {  	s1 =	ssub.s32 @!p0 $0x0, s1;
	[sflag:s0] =	ssyncset.done @!p0 $0x0  }
0x190: {  	[sflag:s0] =	ssyncadd.s32 @!p0 s1  }
0x191: {  	[bflag:$0x3] =	sbarrier.arrive $0xFFFF  }
0x192: {  	_ =	shalt  }

</sc_bundles>
